<compile_context>
chip_gen: v7x
topology: tpu7x:2x2x1
jax: 0.10.2.dev20260603
libtpu: 0.0.44.dev20260713+nightly
codegen_flags: <defaults>
</compile_context>

<pallas_src>
import functools
import math

import jax
import jax.numpy as jnp
from jax import lax
from jax.experimental import pallas as pl
from jax.experimental.pallas import tpu as pltpu
from jax.experimental.pallas import tpu_sc as plsc

EMB = 64
SCALE = math.sqrt(EMB)

_NC = 2
_NS = 16
_NW = _NC * _NS

_CHUNK = 800
_NBUF = 2


def _make_gather(B: int):
    per_w = B // _NW
    n_chunks = per_w // _CHUNK
    n_main = n_chunks // _NBUF - 1
    mesh = plsc.VectorSubcoreMesh(core_axis_name="c", subcore_axis_name="s")

    @functools.partial(
        pl.kernel,
        mesh=mesh,
        compiler_params=pltpu.CompilerParams(
            use_tc_tiling_on_sc=False,
            skip_device_barrier=True,
            disable_bounds_checks=True,
            disable_semaphore_checks=True,
        ),
        out_type=jax.ShapeDtypeStruct((B, EMB), jnp.float32),
        scratch_types=[
            pltpu.VMEM((_NBUF, _CHUNK), jnp.int32),
            pltpu.VMEM((_NBUF, _CHUNK, EMB), jnp.float32),
            [pltpu.SemaphoreType.DMA] * _NBUF,
            [pltpu.SemaphoreType.DMA] * _NBUF,
        ],
    )
    def gather_kernel(idx_hbm, table_hbm, out_hbm, idx_v, rows_v, g_sems, o_sems):
        wid = lax.axis_index("s") * _NC + lax.axis_index("c")
        base = wid * per_w

        def start_gather(b, off):
            pltpu.sync_copy(idx_hbm.at[pl.ds(off, _CHUNK)], idx_v.at[b])
            pltpu.async_copy(table_hbm.at[idx_v.at[b]], rows_v.at[b], g_sems[b])

        def wait_gather(b):
            pltpu.make_async_copy(
                table_hbm.at[idx_v.at[b]], rows_v.at[b], g_sems[b]
            ).wait()

        def scale_chunk(b):
            def scale_body(i, c):
                for r in range(4):
                    for j in range(EMB // 16):
                        sl = pl.ds(j * 16, 16)
                        row = i * 4 + r
                        rows_v[b, row, sl] = rows_v[b, row, sl] * SCALE
                return c

            lax.fori_loop(0, _CHUNK // 4, scale_body, 0)

        def start_out(b, off):
            pltpu.async_copy(
                rows_v.at[b], out_hbm.at[pl.ds(off, _CHUNK)], o_sems[b]
            )

        def wait_out(b, off):
            pltpu.make_async_copy(
                rows_v.at[b], out_hbm.at[pl.ds(off, _CHUNK)], o_sems[b]
            ).wait()

        for b in range(_NBUF):
            start_gather(b, base + b * _CHUNK)

        def main_body(it, carry):
            off0 = base + it * _NBUF * _CHUNK
            for b in range(_NBUF):
                wait_gather(b)
                scale_chunk(b)
                start_out(b, off0 + b * _CHUNK)
            for b in range(_NBUF):
                wait_out(b, off0 + b * _CHUNK)
                start_gather(b, off0 + (_NBUF + b) * _CHUNK)
            return carry

        lax.fori_loop(0, n_main, main_body, 0)

        off0 = base + n_main * _NBUF * _CHUNK
        for b in range(_NBUF):
            wait_gather(b)
            scale_chunk(b)
            start_out(b, off0 + b * _CHUNK)
        for b in range(_NBUF):
            wait_out(b, off0 + b * _CHUNK)

    return gather_kernel


def kernel(tokens, embedding_weight):
    b, t = tokens.shape
    flat_idx = tokens.reshape(-1).astype(jnp.int32)
    rows = _make_gather(b * t)(flat_idx, embedding_weight)
    return rows.reshape(b, t, EMB)

# --- scband reference (transcript-rebuilt; emitter-appended) ---
"""Pipeline reference for scband-token-embedding-24257975288548 (READ-ONLY COPY).

The authoritative reference and input builder live on the scoring server;
editing this copy changes nothing except your own understanding.
"""

import math
import jax, jax.numpy as jnp
import numpy as np

VOCAB_SIZE = 1000000
EMB_SIZE = 64

def setup_inputs(seed: int = 0) -> dict:
    key = jax.random.key(seed)
    k_tok, k_emb = jax.random.split(key)
    tokens = jax.random.randint(k_tok, (4096, 200), 0, VOCAB_SIZE, dtype=jnp.int64 if jax.config.jax_enable_x64 else jnp.int32)
    embedding_weight = jax.random.normal(k_emb, (VOCAB_SIZE, EMB_SIZE), dtype=jnp.float32)
    return {"tokens": tokens, "embedding_weight": embedding_weight}

def reference(tokens, embedding_weight):
    # TokenEmbedding.forward: self.embedding(tokens.long()) * sqrt(emb_size)
    emb = jnp.take(embedding_weight, tokens.astype(jnp.int32), axis=0)
    return emb * math.sqrt(EMB_SIZE)

if __name__ == "__main__":
    import jax
    _d = setup_inputs()
    print(jax.jit(kernel)(*tuple(_d.values())))

</pallas_src>

<mosaic_0001>
#map = affine_map<(d0, d1) -> (0)>
#map1 = affine_map<(d0, d1) -> (0, 0)>
module attributes {stable_mosaic.version = 14 : i64} {
  func.func @gather_kernel(%arg0: i32, %arg1: i32, %arg2: memref<819200xi32, #tpu.memory_space<hbm>>, %arg3: memref<1000000x64xf32, #tpu.memory_space<hbm>>, %arg4: memref<819200x64xf32, #tpu.memory_space<hbm>>, %arg5: memref<2x800xi32, #tpu.memory_space<vmem>>, %arg6: memref<2x800x64xf32, #tpu.memory_space<vmem>>, %arg7: memref<!tpu.dma_semaphore, #tpu.memory_space<semaphore_mem>>, %arg8: memref<!tpu.dma_semaphore, #tpu.memory_space<semaphore_mem>>, %arg9: memref<!tpu.dma_semaphore, #tpu.memory_space<semaphore_mem>>, %arg10: memref<!tpu.dma_semaphore, #tpu.memory_space<semaphore_mem>>) attributes {dimension_semantics = [#tpu.dimension_semantics<core_parallel>, #tpu.dimension_semantics<subcore_parallel>], iteration_bounds = array<i64: 2, 16>, scalar_prefetch = 0 : i64, scratch_operands = 6 : i64, tpu.core_type = #tpu.core_type<sc_vector_subcore>, window_params = [{transform_indices = #map}, {transform_indices = #map1}, {transform_indices = #map1}]} {
    %mul3A = arith.constant 2 : i32
    %mul3A_0 = arith.muli %arg1, %mul3A : i32
    %add3A = arith.addi %mul3A_0, %arg0 : i32
    %mul3A_1 = arith.constant 25600 : i32
    %mul3A_2 = arith.muli %add3A, %mul3A_1 : i32
    %add3A_3 = arith.constant 0 : i32
    %add3A_4 = arith.addi %mul3A_2, %add3A_3 : i32
    %run_scoped3A = arith.constant 0 : i32
    "tpu.region"() ({
      %run_scoped3A_133 = tpu.sem_alloc : memref<!tpu.dma_semaphore, #tpu.memory_space<semaphore_mem>>
      %dma_start3A_134 = arith.constant 0 : i32
      %dma_start3A_135 = tpu.memref_slice %arg5[%run_scoped3A, %dma_start3A_134] : memref<2x800xi32, #tpu.memory_space<vmem>> -> memref<1x800xi32, #tpu.memory_space<vmem>>
      %dma_start3A_136 = tpu.memref_squeeze %dma_start3A_135 : memref<1x800xi32, #tpu.memory_space<vmem>> -> memref<800xi32, #tpu.memory_space<vmem>>
      %dma_start3A_137 = tpu.memref_slice %arg2[%add3A_4] : memref<819200xi32, #tpu.memory_space<hbm>> -> memref<800xi32, #tpu.memory_space<hbm>>
      %dma_start3A_138 = arith.constant 0 : i32
      %dma_start3A_139 = tpu.memref_slice %arg5[%run_scoped3A, %dma_start3A_138] : memref<2x800xi32, #tpu.memory_space<vmem>> -> memref<1x800xi32, #tpu.memory_space<vmem>>
      %dma_start3A_140 = tpu.memref_squeeze %dma_start3A_139 : memref<1x800xi32, #tpu.memory_space<vmem>> -> memref<800xi32, #tpu.memory_space<vmem>>
      %dma_start3A_141 = tpu.memref_slice %arg2[%add3A_4] : memref<819200xi32, #tpu.memory_space<hbm>> -> memref<800xi32, #tpu.memory_space<hbm>>
      tpu.enqueue_dma source(%dma_start3A_141 : memref<800xi32, #tpu.memory_space<hbm>>) target(%dma_start3A_140 : memref<800xi32, #tpu.memory_space<vmem>>) target_semaphore(%run_scoped3A_133 : memref<!tpu.dma_semaphore, #tpu.memory_space<semaphore_mem>>)
      %dma_wait3A_142 = arith.constant 0 : i32
      %dma_wait3A_143 = tpu.memref_slice %arg5[%run_scoped3A, %dma_wait3A_142] : memref<2x800xi32, #tpu.memory_space<vmem>> -> memref<1x800xi32, #tpu.memory_space<vmem>>
      %dma_wait3A_144 = tpu.memref_squeeze %dma_wait3A_143 : memref<1x800xi32, #tpu.memory_space<vmem>> -> memref<800xi32, #tpu.memory_space<vmem>>
      %dma_wait3A_145 = tpu.memref_slice %arg2[%add3A_4] : memref<819200xi32, #tpu.memory_space<hbm>> -> memref<800xi32, #tpu.memory_space<hbm>>
      %dma_wait3A_146 = arith.constant 0 : i32
      %dma_wait3A_147 = tpu.memref_slice %arg5[%run_scoped3A, %dma_wait3A_146] : memref<2x800xi32, #tpu.memory_space<vmem>> -> memref<1x800xi32, #tpu.memory_space<vmem>>
      %dma_wait3A_148 = tpu.memref_squeeze %dma_wait3A_147 : memref<1x800xi32, #tpu.memory_space<vmem>> -> memref<800xi32, #tpu.memory_space<vmem>>
      %dma_wait3A_149 = tpu.memref_slice %arg2[%add3A_4] : memref<819200xi32, #tpu.memory_space<hbm>> -> memref<800xi32, #tpu.memory_space<hbm>>
      tpu.wait_dma2 semaphore(%run_scoped3A_133 : memref<!tpu.dma_semaphore, #tpu.memory_space<semaphore_mem>>) src(%dma_wait3A_149 : memref<800xi32, #tpu.memory_space<hbm>>) dst(%dma_wait3A_148 : memref<800xi32, #tpu.memory_space<vmem>>)
      tpu.yield
    }) : () -> ()
    %dma_start3A = arith.constant 0 : i32
    %dma_start3A_5 = arith.constant 0 : i32
    %dma_start3A_6 = arith.constant 0 : i32
    %dma_start3A_7 = arith.constant 0 : i32
    %dma_start3A_8 = tpu.memref_slice %arg6[%dma_start3A_5, %dma_start3A_6, %dma_start3A_7] : memref<2x800x64xf32, #tpu.memory_space<vmem>> -> memref<1x800x64xf32, #tpu.memory_space<vmem>>
    %dma_start3A_9 = tpu.memref_squeeze %dma_start3A_8 : memref<1x800x64xf32, #tpu.memory_space<vmem>> -> memref<800x64xf32, #tpu.memory_space<vmem>>
    %dma_start3A_10 = arith.constant 0 : i32
    %dma_start3A_11 = tpu.memref_slice %arg5[%dma_start3A, %dma_start3A_10] : memref<2x800xi32, #tpu.memory_space<vmem>> -> memref<1x800xi32, #tpu.memory_space<vmem>>
    %dma_start3A_12 = tpu.memref_squeeze %dma_start3A_11 : memref<1x800xi32, #tpu.memory_space<vmem>> -> memref<800xi32, #tpu.memory_space<vmem>>
    %dma_start3A_13 = arith.constant 0 : i32
    %dma_start3A_14 = arith.constant 0 : i32
    %dma_start3A_15 = tpu.memref_slice %arg3[%dma_start3A_13, %dma_start3A_14] : memref<1000000x64xf32, #tpu.memory_space<hbm>> -> memref<1000000x64xf32, #tpu.memory_space<hbm>>
    tpu.enqueue_indirect_dma source(%dma_start3A_15 : memref<1000000x64xf32, #tpu.memory_space<hbm>>) target(%dma_start3A_9 : memref<800x64xf32, #tpu.memory_space<vmem>>) offsets(%dma_start3A_12 : memref<800xi32, #tpu.memory_space<vmem>>) semaphore(%arg7 : memref<!tpu.dma_semaphore, #tpu.memory_space<semaphore_mem>>)
    %add3A_16 = arith.constant 800 : i32
    %add3A_17 = arith.addi %mul3A_2, %add3A_16 : i32
    %run_scoped3A_18 = arith.constant 1 : i32
    "tpu.region"() ({
      %run_scoped3A_133 = tpu.sem_alloc : memref<!tpu.dma_semaphore, #tpu.memory_space<semaphore_mem>>
      %dma_start3A_134 = arith.constant 0 : i32
      %dma_start3A_135 = tpu.memref_slice %arg5[%run_scoped3A_18, %dma_start3A_134] : memref<2x800xi32, #tpu.memory_space<vmem>> -> memref<1x800xi32, #tpu.memory_space<vmem>>
      %dma_start3A_136 = tpu.memref_squeeze %dma_start3A_135 : memref<1x800xi32, #tpu.memory_space<vmem>> -> memref<800xi32, #tpu.memory_space<vmem>>
      %dma_start3A_137 = tpu.memref_slice %arg2[%add3A_17] : memref<819200xi32, #tpu.memory_space<hbm>> -> memref<800xi32, #tpu.memory_space<hbm>>
      %dma_start3A_138 = arith.constant 0 : i32
      %dma_start3A_139 = tpu.memref_slice %arg5[%run_scoped3A_18, %dma_start3A_138] : memref<2x800xi32, #tpu.memory_space<vmem>> -> memref<1x800xi32, #tpu.memory_space<vmem>>
      %dma_start3A_140 = tpu.memref_squeeze %dma_start3A_139 : memref<1x800xi32, #tpu.memory_space<vmem>> -> memref<800xi32, #tpu.memory_space<vmem>>
      %dma_start3A_141 = tpu.memref_slice %arg2[%add3A_17] : memref<819200xi32, #tpu.memory_space<hbm>> -> memref<800xi32, #tpu.memory_space<hbm>>
      tpu.enqueue_dma source(%dma_start3A_141 : memref<800xi32, #tpu.memory_space<hbm>>) target(%dma_start3A_140 : memref<800xi32, #tpu.memory_space<vmem>>) target_semaphore(%run_scoped3A_133 : memref<!tpu.dma_semaphore, #tpu.memory_space<semaphore_mem>>)
      %dma_wait3A_142 = arith.constant 0 : i32
      %dma_wait3A_143 = tpu.memref_slice %arg5[%run_scoped3A_18, %dma_wait3A_142] : memref<2x800xi32, #tpu.memory_space<vmem>> -> memref<1x800xi32, #tpu.memory_space<vmem>>
      %dma_wait3A_144 = tpu.memref_squeeze %dma_wait3A_143 : memref<1x800xi32, #tpu.memory_space<vmem>> -> memref<800xi32, #tpu.memory_space<vmem>>
      %dma_wait3A_145 = tpu.memref_slice %arg2[%add3A_17] : memref<819200xi32, #tpu.memory_space<hbm>> -> memref<800xi32, #tpu.memory_space<hbm>>
      %dma_wait3A_146 = arith.constant 0 : i32
      %dma_wait3A_147 = tpu.memref_slice %arg5[%run_scoped3A_18, %dma_wait3A_146] : memref<2x800xi32, #tpu.memory_space<vmem>> -> memref<1x800xi32, #tpu.memory_space<vmem>>
      %dma_wait3A_148 = tpu.memref_squeeze %dma_wait3A_147 : memref<1x800xi32, #tpu.memory_space<vmem>> -> memref<800xi32, #tpu.memory_space<vmem>>
      %dma_wait3A_149 = tpu.memref_slice %arg2[%add3A_17] : memref<819200xi32, #tpu.memory_space<hbm>> -> memref<800xi32, #tpu.memory_space<hbm>>
      tpu.wait_dma2 semaphore(%run_scoped3A_133 : memref<!tpu.dma_semaphore, #tpu.memory_space<semaphore_mem>>) src(%dma_wait3A_149 : memref<800xi32, #tpu.memory_space<hbm>>) dst(%dma_wait3A_148 : memref<800xi32, #tpu.memory_space<vmem>>)
      tpu.yield
    }) : () -> ()
    %dma_start3A_19 = arith.constant 1 : i32
    %dma_start3A_20 = arith.constant 1 : i32
    %dma_start3A_21 = arith.constant 0 : i32
    %dma_start3A_22 = arith.constant 0 : i32
    %dma_start3A_23 = tpu.memref_slice %arg6[%dma_start3A_20, %dma_start3A_21, %dma_start3A_22] : memref<2x800x64xf32, #tpu.memory_space<vmem>> -> memref<1x800x64xf32, #tpu.memory_space<vmem>>
    %dma_start3A_24 = tpu.memref_squeeze %dma_start3A_23 : memref<1x800x64xf32, #tpu.memory_space<vmem>> -> memref<800x64xf32, #tpu.memory_space<vmem>>
    %dma_start3A_25 = arith.constant 0 : i32
    %dma_start3A_26 = tpu.memref_slice %arg5[%dma_start3A_19, %dma_start3A_25] : memref<2x800xi32, #tpu.memory_space<vmem>> -> memref<1x800xi32, #tpu.memory_space<vmem>>
    %dma_start3A_27 = tpu.memref_squeeze %dma_start3A_26 : memref<1x800xi32, #tpu.memory_space<vmem>> -> memref<800xi32, #tpu.memory_space<vmem>>
    %dma_start3A_28 = arith.constant 0 : i32
    %dma_start3A_29 = arith.constant 0 : i32
    %dma_start3A_30 = tpu.memref_slice %arg3[%dma_start3A_28, %dma_start3A_29] : memref<1000000x64xf32, #tpu.memory_space<hbm>> -> memref<1000000x64xf32, #tpu.memory_space<hbm>>
    tpu.enqueue_indirect_dma source(%dma_start3A_30 : memref<1000000x64xf32, #tpu.memory_space<hbm>>) target(%dma_start3A_24 : memref<800x64xf32, #tpu.memory_space<vmem>>) offsets(%dma_start3A_27 : memref<800xi32, #tpu.memory_space<vmem>>) semaphore(%arg8 : memref<!tpu.dma_semaphore, #tpu.memory_space<semaphore_mem>>)
    %scan3A = arith.constant 0 : i32
    %scan3A_31 = arith.constant 0 : i32
    %scan3A_32 = arith.constant 15 : i32
    %scan3A_33 = arith.addi %scan3A_31, %scan3A_32 : i32
    %scan3A_34 = arith.constant 1 : i32
    scf.for %scan3A_133 = %scan3A_31 to %scan3A_33 step %scan3A_34  : i32 {
      %mul3A_134 = arith.constant 2 : i32
      %mul3A_135 = arith.muli %scan3A_133, %mul3A_134 : i32
      %mul3A_136 = arith.constant 800 : i32
      %mul3A_137 = arith.muli %mul3A_135, %mul3A_136 : i32
      %add3A_138 = arith.addi %mul3A_2, %mul3A_137 : i32
      %dma_wait3A_139 = arith.constant 0 : i32
      %dma_wait3A_140 = arith.constant 0 : i32
      %dma_wait3A_141 = arith.constant 0 : i32
      %dma_wait3A_142 = arith.constant 0 : i32
      %dma_wait3A_143 = tpu.memref_slice %arg6[%dma_wait3A_140, %dma_wait3A_141, %dma_wait3A_142] : memref<2x800x64xf32, #tpu.memory_space<vmem>> -> memref<1x800x64xf32, #tpu.memory_space<vmem>>
      %dma_wait3A_144 = tpu.memref_squeeze %dma_wait3A_143 : memref<1x800x64xf32, #tpu.memory_space<vmem>> -> memref<800x64xf32, #tpu.memory_space<vmem>>
      %dma_wait3A_145 = arith.constant 0 : i32
      %dma_wait3A_146 = tpu.memref_slice %arg5[%dma_wait3A_139, %dma_wait3A_145] : memref<2x800xi32, #tpu.memory_space<vmem>> -> memref<1x800xi32, #tpu.memory_space<vmem>>
      %dma_wait3A_147 = tpu.memref_squeeze %dma_wait3A_146 : memref<1x800xi32, #tpu.memory_space<vmem>> -> memref<800xi32, #tpu.memory_space<vmem>>
      %dma_wait3A_148 = arith.constant 0 : i32
      %dma_wait3A_149 = arith.constant 0 : i32
      %dma_wait3A_150 = tpu.memref_slice %arg3[%dma_wait3A_148, %dma_wait3A_149] : memref<1000000x64xf32, #tpu.memory_space<hbm>> -> memref<1000000x64xf32, #tpu.memory_space<hbm>>
      tpu.wait_indirect_dma semaphore(%arg7 : memref<!tpu.dma_semaphore, #tpu.memory_space<semaphore_mem>>) src(%dma_wait3A_150 : memref<1000000x64xf32, #tpu.memory_space<hbm>>) dst(%dma_wait3A_144 : memref<800x64xf32, #tpu.memory_space<vmem>>)
      %scan3A_151 = arith.constant 0 : i32
      %scan3A_152 = arith.constant 0 : i32
      %scan3A_153 = arith.constant 200 : i32
      %scan3A_154 = arith.addi %scan3A_152, %scan3A_153 : i32
      %scan3A_155 = arith.constant 1 : i32
      scf.for %scan3A_265 = %scan3A_152 to %scan3A_154 step %scan3A_155  : i32 {
        %mul3A_266 = arith.constant 4 : i32
        %mul3A_267 = arith.muli %scan3A_265, %mul3A_266 : i32
        %add3A_268 = arith.constant 0 : i32
        %add3A_269 = arith.addi %mul3A_267, %add3A_268 : i32
        %get3A = arith.constant 0 : i32
        %get3A_270 = arith.index_cast %get3A : i32 to index
        %get3A_271 = arith.index_cast %add3A_269 : i32 to index
        %get3A_272 = arith.constant 0 : index
        %get3A_273 = tpu.vector_load %arg6[%get3A_270, %get3A_271, %get3A_272] {strides = array<i32>} : memref<2x800x64xf32, #tpu.memory_space<vmem>>, vector<1x1x16xf32>,
        %get3A_274 = vector.shape_cast %get3A_273 : vector<1x1x16xf32> to vector<16xf32>
        %mul3A_275 = arith.constant 8.000000e+00 : f32
        %mul3A_276 = vector.broadcast %mul3A_275 : f32 to vector<16xf32>
        %mul3A_277 = arith.mulf %get3A_274, %mul3A_276 : vector<16xf32>
        %swap3A = arith.constant 0 : i32
        %swap3A_278 = arith.index_cast %swap3A : i32 to index
        %swap3A_279 = arith.index_cast %add3A_269 : i32 to index
        %swap3A_280 = arith.constant 0 : index
        %swap3A_281 = tpu.vector_load %arg6[%swap3A_278, %swap3A_279, %swap3A_280] {strides = array<i32>} : memref<2x800x64xf32, #tpu.memory_space<vmem>>, vector<1x1x16xf32>,
        %swap3A_282 = vector.shape_cast %swap3A_281 : vector<1x1x16xf32> to vector<16xf32>
        %swap3A_283 = vector.shape_cast %mul3A_277 : vector<16xf32> to vector<1x1x16xf32>
        tpu.vector_store %arg6[%swap3A_278, %swap3A_279, %swap3A_280], %swap3A_283 {strides = array<i32>} : memref<2x800x64xf32, #tpu.memory_space<vmem>>, vector<1x1x16xf32>,
        %mul3A_284 = arith.constant 4 : i32
        %mul3A_285 = arith.muli %scan3A_265, %mul3A_284 : i32
        %add3A_286 = arith.constant 0 : i32
        %add3A_287 = arith.addi %mul3A_285, %add3A_286 : i32
        %get3A_288 = arith.constant 0 : i32
        %get3A_289 = arith.index_cast %get3A_288 : i32 to index
        %get3A_290 = arith.index_cast %add3A_287 : i32 to index
        %get3A_291 = arith.constant 16 : index
        %get3A_292 = tpu.vector_load %arg6[%get3A_289, %get3A_290, %get3A_291] {strides = array<i32>} : memref<2x800x64xf32, #tpu.memory_space<vmem>>, vector<1x1x16xf32>,
        %get3A_293 = vector.shape_cast %get3A_292 : vector<1x1x16xf32> to vector<16xf32>
        %mul3A_294 = arith.constant 8.000000e+00 : f32
        %mul3A_295 = vector.broadcast %mul3A_294 : f32 to vector<16xf32>
        %mul3A_296 = arith.mulf %get3A_293, %mul3A_295 : vector<16xf32>
        %swap3A_297 = arith.constant 0 : i32
        %swap3A_298 = arith.index_cast %swap3A_297 : i32 to index
        %swap3A_299 = arith.index_cast %add3A_287 : i32 to index
        %swap3A_300 = arith.constant 16 : index
        %swap3A_301 = tpu.vector_load %arg6[%swap3A_298, %swap3A_299, %swap3A_300] {strides = array<i32>} : memref<2x800x64xf32, #tpu.memory_space<vmem>>, vector<1x1x16xf32>,
        %swap3A_302 = vector.shape_cast %swap3A_301 : vector<1x1x16xf32> to vector<16xf32>
        %swap3A_303 = vector.shape_cast %mul3A_296 : vector<16xf32> to vector<1x1x16xf32>
        tpu.vector_store %arg6[%swap3A_298, %swap3A_299, %swap3A_300], %swap3A_303 {strides = array<i32>} : memref<2x800x64xf32, #tpu.memory_space<vmem>>, vector<1x1x16xf32>,
        %mul3A_304 = arith.constant 4 : i32
        %mul3A_305 = arith.muli %scan3A_265, %mul3A_304 : i32
        %add3A_306 = arith.constant 0 : i32
        %add3A_307 = arith.addi %mul3A_305, %add3A_306 : i32
        %get3A_308 = arith.constant 0 : i32
        %get3A_309 = arith.index_cast %get3A_308 : i32 to index
        %get3A_310 = arith.index_cast %add3A_307 : i32 to index
        %get3A_311 = arith.constant 32 : index
        %get3A_312 = tpu.vector_load %arg6[%get3A_309, %get3A_310, %get3A_311] {strides = array<i32>} : memref<2x800x64xf32, #tpu.memory_space<vmem>>, vector<1x1x16xf32>,
        %get3A_313 = vector.shape_cast %get3A_312 : vector<1x1x16xf32> to vector<16xf32>
        %mul3A_314 = arith.constant 8.000000e+00 : f32
        %mul3A_315 = vector.broadcast %mul3A_314 : f32 to vector<16xf32>
        %mul3A_316 = arith.mulf %get3A_313, %mul3A_315 : vector<16xf32>
        %swap3A_317 = arith.constant 0 : i32
        %swap3A_318 = arith.index_cast %swap3A_317 : i32 to index
        %swap3A_319 = arith.index_cast %add3A_307 : i32 to index
        %swap3A_320 = arith.constant 32 : index
        %swap3A_321 = tpu.vector_load %arg6[%swap3A_318, %swap3A_319, %swap3A_320] {strides = array<i32>} : memref<2x800x64xf32, #tpu.memory_space<vmem>>, vector<1x1x16xf32>,
        %swap3A_322 = vector.shape_cast %swap3A_321 : vector<1x1x16xf32> to vector<16xf32>
        %swap3A_323 = vector.shape_cast %mul3A_316 : vector<16xf32> to vector<1x1x16xf32>
        tpu.vector_store %arg6[%swap3A_318, %swap3A_319, %swap3A_320], %swap3A_323 {strides = array<i32>} : memref<2x800x64xf32, #tpu.memory_space<vmem>>, vector<1x1x16xf32>,
        %mul3A_324 = arith.constant 4 : i32
        %mul3A_325 = arith.muli %scan3A_265, %mul3A_324 : i32
        %add3A_326 = arith.constant 0 : i32
        %add3A_327 = arith.addi %mul3A_325, %add3A_326 : i32
        %get3A_328 = arith.constant 0 : i32
        %get3A_329 = arith.index_cast %get3A_328 : i32 to index
        %get3A_330 = arith.index_cast %add3A_327 : i32 to index
        %get3A_331 = arith.constant 48 : index
        %get3A_332 = tpu.vector_load %arg6[%get3A_329, %get3A_330, %get3A_331] {strides = array<i32>} : memref<2x800x64xf32, #tpu.memory_space<vmem>>, vector<1x1x16xf32>,
        %get3A_333 = vector.shape_cast %get3A_332 : vector<1x1x16xf32> to vector<16xf32>
        %mul3A_334 = arith.constant 8.000000e+00 : f32
        %mul3A_335 = vector.broadcast %mul3A_334 : f32 to vector<16xf32>
        %mul3A_336 = arith.mulf %get3A_333, %mul3A_335 : vector<16xf32>
        %swap3A_337 = arith.constant 0 : i32
        %swap3A_338 = arith.index_cast %swap3A_337 : i32 to index
        %swap3A_339 = arith.index_cast %add3A_327 : i32 to index
        %swap3A_340 = arith.constant 48 : index
        %swap3A_341 = tpu.vector_load %arg6[%swap3A_338, %swap3A_339, %swap3A_340] {strides = array<i32>} : memref<2x800x64xf32, #tpu.memory_space<vmem>>, vector<1x1x16xf32>,
        %swap3A_342 = vector.shape_cast %swap3A_341 : vector<1x1x16xf32> to vector<16xf32>
        %swap3A_343 = vector.shape_cast %mul3A_336 : vector<16xf32> to vector<1x1x16xf32>
        tpu.vector_store %arg6[%swap3A_338, %swap3A_339, %swap3A_340], %swap3A_343 {strides = array<i32>} : memref<2x800x64xf32, #tpu.memory_space<vmem>>, vector<1x1x16xf32>,
        %mul3A_344 = arith.constant 4 : i32
        %mul3A_345 = arith.muli %scan3A_265, %mul3A_344 : i32
        %add3A_346 = arith.constant 1 : i32
        %add3A_347 = arith.addi %mul3A_345, %add3A_346 : i32
        %get3A_348 = arith.constant 0 : i32
        %get3A_349 = arith.index_cast %get3A_348 : i32 to index
        %get3A_350 = arith.index_cast %add3A_347 : i32 to index
        %get3A_351 = arith.constant 0 : index
        %get3A_352 = tpu.vector_load %arg6[%get3A_349, %get3A_350, %get3A_351] {strides = array<i32>} : memref<2x800x64xf32, #tpu.memory_space<vmem>>, vector<1x1x16xf32>,
        %get3A_353 = vector.shape_cast %get3A_352 : vector<1x1x16xf32> to vector<16xf32>
        %mul3A_354 = arith.constant 8.000000e+00 : f32
        %mul3A_355 = vector.broadcast %mul3A_354 : f32 to vector<16xf32>
        %mul3A_356 = arith.mulf %get3A_353, %mul3A_355 : vector<16xf32>
        %swap3A_357 = arith.constant 0 : i32
        %swap3A_358 = arith.index_cast %swap3A_357 : i32 to index
        %swap3A_359 = arith.index_cast %add3A_347 : i32 to index
        %swap3A_360 = arith.constant 0 : index
        %swap3A_361 = tpu.vector_load %arg6[%swap3A_358, %swap3A_359, %swap3A_360] {strides = array<i32>} : memref<2x800x64xf32, #tpu.memory_space<vmem>>, vector<1x1x16xf32>,
        %swap3A_362 = vector.shape_cast %swap3A_361 : vector<1x1x16xf32> to vector<16xf32>
        %swap3A_363 = vector.shape_cast %mul3A_356 : vector<16xf32> to vector<1x1x16xf32>
        tpu.vector_store %arg6[%swap3A_358, %swap3A_359, %swap3A_360], %swap3A_363 {strides = array<i32>} : memref<2x800x64xf32, #tpu.memory_space<vmem>>, vector<1x1x16xf32>,
        %mul3A_364 = arith.constant 4 : i32
        %mul3A_365 = arith.muli %scan3A_265, %mul3A_364 : i32
        %add3A_366 = arith.constant 1 : i32
        %add3A_367 = arith.addi %mul3A_365, %add3A_366 : i32
        %get3A_368 = arith.constant 0 : i32
        %get3A_369 = arith.index_cast %get3A_368 : i32 to index
        %get3A_370 = arith.index_cast %add3A_367 : i32 to index
        %get3A_371 = arith.constant 16 : index
        %get3A_372 = tpu.vector_load %arg6[%get3A_369, %get3A_370, %get3A_371] {strides = array<i32>} : memref<2x800x64xf32, #tpu.memory_space<vmem>>, vector<1x1x16xf32>,
        %get3A_373 = vector.shape_cast %get3A_372 : vector<1x1x16xf32> to vector<16xf32>
        %mul3A_374 = arith.constant 8.000000e+00 : f32
        %mul3A_375 = vector.broadcast %mul3A_374 : f32 to vector<16xf32>
        %mul3A_376 = arith.mulf %get3A_373, %mul3A_375 : vector<16xf32>
        %swap3A_377 = arith.constant 0 : i32
        %swap3A_378 = arith.index_cast %swap3A_377 : i32 to index
        %swap3A_379 = arith.index_cast %add3A_367 : i32 to index
        %swap3A_380 = arith.constant 16 : index
        %swap3A_381 = tpu.vector_load %arg6[%swap3A_378, %swap3A_379, %swap3A_380] {strides = array<i32>} : memref<2x800x64xf32, #tpu.memory_space<vmem>>, vector<1x1x16xf32>,
        %swap3A_382 = vector.shape_cast %swap3A_381 : vector<1x1x16xf32> to vector<16xf32>
        %swap3A_383 = vector.shape_cast %mul3A_376 : vector<16xf32> to vector<1x1x16xf32>
        tpu.vector_store %arg6[%swap3A_378, %swap3A_379, %swap3A_380], %swap3A_383 {strides = array<i32>} : memref<2x800x64xf32, #tpu.memory_space<vmem>>, vector<1x1x16xf32>,
        %mul3A_384 = arith.constant 4 : i32
        %mul3A_385 = arith.muli %scan3A_265, %mul3A_384 : i32
        %add3A_386 = arith.constant 1 : i32
        %add3A_387 = arith.addi %mul3A_385, %add3A_386 : i32
        %get3A_388 = arith.constant 0 : i32
        %get3A_389 = arith.index_cast %get3A_388 : i32 to index
        %get3A_390 = arith.index_cast %add3A_387 : i32 to index
        %get3A_391 = arith.constant 32 : index
        %get3A_392 = tpu.vector_load %arg6[%get3A_389, %get3A_390, %get3A_391] {strides = array<i32>} : memref<2x800x64xf32, #tpu.memory_space<vmem>>, vector<1x1x16xf32>,
        %get3A_393 = vector.shape_cast %get3A_392 : vector<1x1x16xf32> to vector<16xf32>
        %mul3A_394 = arith.constant 8.000000e+00 : f32
        %mul3A_395 = vector.broadcast %mul3A_394 : f32 to vector<16xf32>
        %mul3A_396 = arith.mulf %get3A_393, %mul3A_395 : vector<16xf32>
        %swap3A_397 = arith.constant 0 : i32
        %swap3A_398 = arith.index_cast %swap3A_397 : i32 to index
        %swap3A_399 = arith.index_cast %add3A_387 : i32 to index
        %swap3A_400 = arith.constant 32 : index
        %swap3A_401 = tpu.vector_load %arg6[%swap3A_398, %swap3A_399, %swap3A_400] {strides = array<i32>} : memref<2x800x64xf32, #tpu.memory_space<vmem>>, vector<1x1x16xf32>,
        %swap3A_402 = vector.shape_cast %swap3A_401 : vector<1x1x16xf32> to vector<16xf32>
        %swap3A_403 = vector.shape_cast %mul3A_396 : vector<16xf32> to vector<1x1x16xf32>
        tpu.vector_store %arg6[%swap3A_398, %swap3A_399, %swap3A_400], %swap3A_403 {strides = array<i32>} : memref<2x800x64xf32, #tpu.memory_space<vmem>>, vector<1x1x16xf32>,
        %mul3A_404 = arith.constant 4 : i32
        %mul3A_405 = arith.muli %scan3A_265, %mul3A_404 : i32
        %add3A_406 = arith.constant 1 : i32
        %add3A_407 = arith.addi %mul3A_405, %add3A_406 : i32
        %get3A_408 = arith.constant 0 : i32
        %get3A_409 = arith.index_cast %get3A_408 : i32 to index
        %get3A_410 = arith.index_cast %add3A_407 : i32 to index
        %get3A_411 = arith.constant 48 : index
        %get3A_412 = tpu.vector_load %arg6[%get3A_409, %get3A_410, %get3A_411] {strides = array<i32>} : memref<2x800x64xf32, #tpu.memory_space<vmem>>, vector<1x1x16xf32>,
        %get3A_413 = vector.shape_cast %get3A_412 : vector<1x1x16xf32> to vector<16xf32>
        %mul3A_414 = arith.constant 8.000000e+00 : f32
        %mul3A_415 = vector.broadcast %mul3A_414 : f32 to vector<16xf32>
        %mul3A_416 = arith.mulf %get3A_413, %mul3A_415 : vector<16xf32>
        %swap3A_417 = arith.constant 0 : i32
        %swap3A_418 = arith.index_cast %swap3A_417 : i32 to index
        %swap3A_419 = arith.index_cast %add3A_407 : i32 to index
        %swap3A_420 = arith.constant 48 : index
        %swap3A_421 = tpu.vector_load %arg6[%swap3A_418, %swap3A_419, %swap3A_420] {strides = array<i32>} : memref<2x800x64xf32, #tpu.memory_space<vmem>>, vector<1x1x16xf32>,
        %swap3A_422 = vector.shape_cast %swap3A_421 : vector<1x1x16xf32> to vector<16xf32>
        %swap3A_423 = vector.shape_cast %mul3A_416 : vector<16xf32> to vector<1x1x16xf32>
        tpu.vector_store %arg6[%swap3A_418, %swap3A_419, %swap3A_420], %swap3A_423 {strides = array<i32>} : memref<2x800x64xf32, #tpu.memory_space<vmem>>, vector<1x1x16xf32>,
        %mul3A_424 = arith.constant 4 : i32
        %mul3A_425 = arith.muli %scan3A_265, %mul3A_424 : i32
        %add3A_426 = arith.constant 2 : i32
        %add3A_427 = arith.addi %mul3A_425, %add3A_426 : i32
        %get3A_428 = arith.constant 0 : i32
        %get3A_429 = arith.index_cast %get3A_428 : i32 to index
        %get3A_430 = arith.index_cast %add3A_427 : i32 to index
        %get3A_431 = arith.constant 0 : index
        %get3A_432 = tpu.vector_load %arg6[%get3A_429, %get3A_430, %get3A_431] {strides = array<i32>} : memref<2x800x64xf32, #tpu.memory_space<vmem>>, vector<1x1x16xf32>,
        %get3A_433 = vector.shape_cast %get3A_432 : vector<1x1x16xf32> to vector<16xf32>
        %mul3A_434 = arith.constant 8.000000e+00 : f32
        %mul3A_435 = vector.broadcast %mul3A_434 : f32 to vector<16xf32>
        %mul3A_436 = arith.mulf %get3A_433, %mul3A_435 : vector<16xf32>
        %swap3A_437 = arith.constant 0 : i32
        %swap3A_438 = arith.index_cast %swap3A_437 : i32 to index
        %swap3A_439 = arith.index_cast %add3A_427 : i32 to index
        %swap3A_440 = arith.constant 0 : index
        %swap3A_441 = tpu.vector_load %arg6[%swap3A_438, %swap3A_439, %swap3A_440] {strides = array<i32>} : memref<2x800x64xf32, #tpu.memory_space<vmem>>, vector<1x1x16xf32>,
        %swap3A_442 = vector.shape_cast %swap3A_441 : vector<1x1x16xf32> to vector<16xf32>
        %swap3A_443 = vector.shape_cast %mul3A_436 : vector<16xf32> to vector<1x1x16xf32>
        tpu.vector_store %arg6[%swap3A_438, %swap3A_439, %swap3A_440], %swap3A_443 {strides = array<i32>} : memref<2x800x64xf32, #tpu.memory_space<vmem>>, vector<1x1x16xf32>,
        %mul3A_444 = arith.constant 4 : i32
        %mul3A_445 = arith.muli %scan3A_265, %mul3A_444 : i32
        %add3A_446 = arith.constant 2 : i32
        %add3A_447 = arith.addi %mul3A_445, %add3A_446 : i32
        %get3A_448 = arith.constant 0 : i32
        %get3A_449 = arith.index_cast %get3A_448 : i32 to index
        %get3A_450 = arith.index_cast %add3A_447 : i32 to index
        %get3A_451 = arith.constant 16 : index
        %get3A_452 = tpu.vector_load %arg6[%get3A_449, %get3A_450, %get3A_451] {strides = array<i32>} : memref<2x800x64xf32, #tpu.memory_space<vmem>>, vector<1x1x16xf32>,
        %get3A_453 = vector.shape_cast %get3A_452 : vector<1x1x16xf32> to vector<16xf32>
        %mul3A_454 = arith.constant 8.000000e+00 : f32
        %mul3A_455 = vector.broadcast %mul3A_454 : f32 to vector<16xf32>
        %mul3A_456 = arith.mulf %get3A_453, %mul3A_455 : vector<16xf32>
        %swap3A_457 = arith.constant 0 : i32
        %swap3A_458 = arith.index_cast %swap3A_457 : i32 to index
        %swap3A_459 = arith.index_cast %add3A_447 : i32 to index
        %swap3A_460 = arith.constant 16 : index
        %swap3A_461 = tpu.vector_load %arg6[%swap3A_458, %swap3A_459, %swap3A_460] {strides = array<i32>} : memref<2x800x64xf32, #tpu.memory_space<vmem>>, vector<1x1x16xf32>,
        %swap3A_462 = vector.shape_cast %swap3A_461 : vector<1x1x16xf32> to vector<16xf32>
        %swap3A_463 = vector.shape_cast %mul3A_456 : vector<16xf32> to vector<1x1x16xf32>
        tpu.vector_store %arg6[%swap3A_458, %swap3A_459, %swap3A_460], %swap3A_463 {strides = array<i32>} : memref<2x800x64xf32, #tpu.memory_space<vmem>>, vector<1x1x16xf32>,
        %mul3A_464 = arith.constant 4 : i32
        %mul3A_465 = arith.muli %scan3A_265, %mul3A_464 : i32
        %add3A_466 = arith.constant 2 : i32
        %add3A_467 = arith.addi %mul3A_465, %add3A_466 : i32
        %get3A_468 = arith.constant 0 : i32
        %get3A_469 = arith.index_cast %get3A_468 : i32 to index
        %get3A_470 = arith.index_cast %add3A_467 : i32 to index
        %get3A_471 = arith.constant 32 : index
        %get3A_472 = tpu.vector_load %arg6[%get3A_469, %get3A_470, %get3A_471] {strides = array<i32>} : memref<2x800x64xf32, #tpu.memory_space<vmem>>, vector<1x1x16xf32>,
        %get3A_473 = vector.shape_cast %get3A_472 : vector<1x1x16xf32> to vector<16xf32>
        %mul3A_474 = arith.constant 8.000000e+00 : f32
        %mul3A_475 = vector.broadcast %mul3A_474 : f32 to vector<16xf32>
        %mul3A_476 = arith.mulf %get3A_473, %mul3A_475 : vector<16xf32>
        %swap3A_477 = arith.constant 0 : i32
        %swap3A_478 = arith.index_cast %swap3A_477 : i32 to index
        %swap3A_479 = arith.index_cast %add3A_467 : i32 to index
        %swap3A_480 = arith.constant 32 : index
        %swap3A_481 = tpu.vector_load %arg6[%swap3A_478, %swap3A_479, %swap3A_480] {strides = array<i32>} : memref<2x800x64xf32, #tpu.memory_space<vmem>>, vector<1x1x16xf32>,
        %swap3A_482 = vector.shape_cast %swap3A_481 : vector<1x1x16xf32> to vector<16xf32>
        %swap3A_483 = vector.shape_cast %mul3A_476 : vector<16xf32> to vector<1x1x16xf32>
        tpu.vector_store %arg6[%swap3A_478, %swap3A_479, %swap3A_480], %swap3A_483 {strides = array<i32>} : memref<2x800x64xf32, #tpu.memory_space<vmem>>, vector<1x1x16xf32>,
        %mul3A_484 = arith.constant 4 : i32
        %mul3A_485 = arith.muli %scan3A_265, %mul3A_484 : i32
        %add3A_486 = arith.constant 2 : i32
        %add3A_487 = arith.addi %mul3A_485, %add3A_486 : i32
        %get3A_488 = arith.constant 0 : i32
        %get3A_489 = arith.index_cast %get3A_488 : i32 to index
        %get3A_490 = arith.index_cast %add3A_487 : i32 to index
        %get3A_491 = arith.constant 48 : index
        %get3A_492 = tpu.vector_load %arg6[%get3A_489, %get3A_490, %get3A_491] {strides = array<i32>} : memref<2x800x64xf32, #tpu.memory_space<vmem>>, vector<1x1x16xf32>,
        %get3A_493 = vector.shape_cast %get3A_492 : vector<1x1x16xf32> to vector<16xf32>
        %mul3A_494 = arith.constant 8.000000e+00 : f32
        %mul3A_495 = vector.broadcast %mul3A_494 : f32 to vector<16xf32>
        %mul3A_496 = arith.mulf %get3A_493, %mul3A_495 : vector<16xf32>
        %swap3A_497 = arith.constant 0 : i32
        %swap3A_498 = arith.index_cast %swap3A_497 : i32 to index
        %swap3A_499 = arith.index_cast %add3A_487 : i32 to index
        %swap3A_500 = arith.constant 48 : index
        %swap3A_501 = tpu.vector_load %arg6[%swap3A_498, %swap3A_499, %swap3A_500] {strides = array<i32>} : memref<2x800x64xf32, #tpu.memory_space<vmem>>, vector<1x1x16xf32>,
        %swap3A_502 = vector.shape_cast %swap3A_501 : vector<1x1x16xf32> to vector<16xf32>
        %swap3A_503 = vector.shape_cast %mul3A_496 : vector<16xf32> to vector<1x1x16xf32>
        tpu.vector_store %arg6[%swap3A_498, %swap3A_499, %swap3A_500], %swap3A_503 {strides = array<i32>} : memref<2x800x64xf32, #tpu.memory_space<vmem>>, vector<1x1x16xf32>,
        %mul3A_504 = arith.constant 4 : i32
        %mul3A_505 = arith.muli %scan3A_265, %mul3A_504 : i32
        %add3A_506 = arith.constant 3 : i32
        %add3A_507 = arith.addi %mul3A_505, %add3A_506 : i32
        %get3A_508 = arith.constant 0 : i32
        %get3A_509 = arith.index_cast %get3A_508 : i32 to index
        %get3A_510 = arith.index_cast %add3A_507 : i32 to index
        %get3A_511 = arith.constant 0 : index
        %get3A_512 = tpu.vector_load %arg6[%get3A_509, %get3A_510, %get3A_511] {strides = array<i32>} : memref<2x800x64xf32, #tpu.memory_space<vmem>>, vector<1x1x16xf32>,
        %get3A_513 = vector.shape_cast %get3A_512 : vector<1x1x16xf32> to vector<16xf32>
        %mul3A_514 = arith.constant 8.000000e+00 : f32
        %mul3A_515 = vector.broadcast %mul3A_514 : f32 to vector<16xf32>
        %mul3A_516 = arith.mulf %get3A_513, %mul3A_515 : vector<16xf32>
        %swap3A_517 = arith.constant 0 : i32
        %swap3A_518 = arith.index_cast %swap3A_517 : i32 to index
        %swap3A_519 = arith.index_cast %add3A_507 : i32 to index
        %swap3A_520 = arith.constant 0 : index
        %swap3A_521 = tpu.vector_load %arg6[%swap3A_518, %swap3A_519, %swap3A_520] {strides = array<i32>} : memref<2x800x64xf32, #tpu.memory_space<vmem>>, vector<1x1x16xf32>,
        %swap3A_522 = vector.shape_cast %swap3A_521 : vector<1x1x16xf32> to vector<16xf32>
        %swap3A_523 = vector.shape_cast %mul3A_516 : vector<16xf32> to vector<1x1x16xf32>
        tpu.vector_store %arg6[%swap3A_518, %swap3A_519, %swap3A_520], %swap3A_523 {strides = array<i32>} : memref<2x800x64xf32, #tpu.memory_space<vmem>>, vector<1x1x16xf32>,
        %mul3A_524 = arith.constant 4 : i32
        %mul3A_525 = arith.muli %scan3A_265, %mul3A_524 : i32
        %add3A_526 = arith.constant 3 : i32
        %add3A_527 = arith.addi %mul3A_525, %add3A_526 : i32
        %get3A_528 = arith.constant 0 : i32
        %get3A_529 = arith.index_cast %get3A_528 : i32 to index
        %get3A_530 = arith.index_cast %add3A_527 : i32 to index
        %get3A_531 = arith.constant 16 : index
        %get3A_532 = tpu.vector_load %arg6[%get3A_529, %get3A_530, %get3A_531] {strides = array<i32>} : memref<2x800x64xf32, #tpu.memory_space<vmem>>, vector<1x1x16xf32>,
        %get3A_533 = vector.shape_cast %get3A_532 : vector<1x1x16xf32> to vector<16xf32>
        %mul3A_534 = arith.constant 8.000000e+00 : f32
        %mul3A_535 = vector.broadcast %mul3A_534 : f32 to vector<16xf32>
        %mul3A_536 = arith.mulf %get3A_533, %mul3A_535 : vector<16xf32>
        %swap3A_537 = arith.constant 0 : i32
        %swap3A_538 = arith.index_cast %swap3A_537 : i32 to index
        %swap3A_539 = arith.index_cast %add3A_527 : i32 to index
        %swap3A_540 = arith.constant 16 : index
        %swap3A_541 = tpu.vector_load %arg6[%swap3A_538, %swap3A_539, %swap3A_540] {strides = array<i32>} : memref<2x800x64xf32, #tpu.memory_space<vmem>>, vector<1x1x16xf32>,
        %swap3A_542 = vector.shape_cast %swap3A_541 : vector<1x1x16xf32> to vector<16xf32>
        %swap3A_543 = vector.shape_cast %mul3A_536 : vector<16xf32> to vector<1x1x16xf32>
        tpu.vector_store %arg6[%swap3A_538, %swap3A_539, %swap3A_540], %swap3A_543 {strides = array<i32>} : memref<2x800x64xf32, #tpu.memory_space<vmem>>, vector<1x1x16xf32>,
        %mul3A_544 = arith.constant 4 : i32
        %mul3A_545 = arith.muli %scan3A_265, %mul3A_544 : i32
        %add3A_546 = arith.constant 3 : i32
        %add3A_547 = arith.addi %mul3A_545, %add3A_546 : i32
        %get3A_548 = arith.constant 0 : i32
        %get3A_549 = arith.index_cast %get3A_548 : i32 to index
        %get3A_550 = arith.index_cast %add3A_547 : i32 to index
        %get3A_551 = arith.constant 32 : index
        %get3A_552 = tpu.vector_load %arg6[%get3A_549, %get3A_550, %get3A_551] {strides = array<i32>} : memref<2x800x64xf32, #tpu.memory_space<vmem>>, vector<1x1x16xf32>,
        %get3A_553 = vector.shape_cast %get3A_552 : vector<1x1x16xf32> to vector<16xf32>
        %mul3A_554 = arith.constant 8.000000e+00 : f32
        %mul3A_555 = vector.broadcast %mul3A_554 : f32 to vector<16xf32>
        %mul3A_556 = arith.mulf %get3A_553, %mul3A_555 : vector<16xf32>
        %swap3A_557 = arith.constant 0 : i32
        %swap3A_558 = arith.index_cast %swap3A_557 : i32 to index
        %swap3A_559 = arith.index_cast %add3A_547 : i32 to index
        %swap3A_560 = arith.constant 32 : index
        %swap3A_561 = tpu.vector_load %arg6[%swap3A_558, %swap3A_559, %swap3A_560] {strides = array<i32>} : memref<2x800x64xf32, #tpu.memory_space<vmem>>, vector<1x1x16xf32>,
        %swap3A_562 = vector.shape_cast %swap3A_561 : vector<1x1x16xf32> to vector<16xf32>
        %swap3A_563 = vector.shape_cast %mul3A_556 : vector<16xf32> to vector<1x1x16xf32>
        tpu.vector_store %arg6[%swap3A_558, %swap3A_559, %swap3A_560], %swap3A_563 {strides = array<i32>} : memref<2x800x64xf32, #tpu.memory_space<vmem>>, vector<1x1x16xf32>,
        %mul3A_564 = arith.constant 4 : i32
        %mul3A_565 = arith.muli %scan3A_265, %mul3A_564 : i32
        %add3A_566 = arith.constant 3 : i32
        %add3A_567 = arith.addi %mul3A_565, %add3A_566 : i32
        %get3A_568 = arith.constant 0 : i32
        %get3A_569 = arith.index_cast %get3A_568 : i32 to index
        %get3A_570 = arith.index_cast %add3A_567 : i32 to index
        %get3A_571 = arith.constant 48 : index
        %get3A_572 = tpu.vector_load %arg6[%get3A_569, %get3A_570, %get3A_571] {strides = array<i32>} : memref<2x800x64xf32, #tpu.memory_space<vmem>>, vector<1x1x16xf32>,
        %get3A_573 = vector.shape_cast %get3A_572 : vector<1x1x16xf32> to vector<16xf32>
        %mul3A_574 = arith.constant 8.000000e+00 : f32
        %mul3A_575 = vector.broadcast %mul3A_574 : f32 to vector<16xf32>
        %mul3A_576 = arith.mulf %get3A_573, %mul3A_575 : vector<16xf32>
        %swap3A_577 = arith.constant 0 : i32
        %swap3A_578 = arith.index_cast %swap3A_577 : i32 to index
        %swap3A_579 = arith.index_cast %add3A_567 : i32 to index
        %swap3A_580 = arith.constant 48 : index
        %swap3A_581 = tpu.vector_load %arg6[%swap3A_578, %swap3A_579, %swap3A_580] {strides = array<i32>} : memref<2x800x64xf32, #tpu.memory_space<vmem>>, vector<1x1x16xf32>,
        %swap3A_582 = vector.shape_cast %swap3A_581 : vector<1x1x16xf32> to vector<16xf32>
        %swap3A_583 = vector.shape_cast %mul3A_576 : vector<16xf32> to vector<1x1x16xf32>
        tpu.vector_store %arg6[%swap3A_578, %swap3A_579, %swap3A_580], %swap3A_583 {strides = array<i32>} : memref<2x800x64xf32, #tpu.memory_space<vmem>>, vector<1x1x16xf32>,
      }
      %scan3A_156 = arith.constant 200 : i32
      %add3A_157 = arith.constant 0 : i32
      %add3A_158 = arith.addi %add3A_138, %add3A_157 : i32
      %dma_start3A_159 = arith.constant 0 : i32
      %dma_start3A_160 = arith.constant 0 : i32
      %dma_start3A_161 = arith.constant 0 : i32
      %dma_start3A_162 = tpu.memref_slice %arg6[%dma_start3A_159, %dma_start3A_160, %dma_start3A_161] : memref<2x800x64xf32, #tpu.memory_space<vmem>> -> memref<1x800x64xf32, #tpu.memory_space<vmem>>
      %dma_start3A_163 = tpu.memref_squeeze %dma_start3A_162 : memref<1x800x64xf32, #tpu.memory_space<vmem>> -> memref<800x64xf32, #tpu.memory_space<vmem>>
      %dma_start3A_164 = arith.constant 0 : i32
      %dma_start3A_165 = tpu.memref_slice %arg4[%add3A_158, %dma_start3A_164] : memref<819200x64xf32, #tpu.memory_space<hbm>> -> memref<800x64xf32, #tpu.memory_space<hbm>>
      %dma_start3A_166 = arith.constant 0 : i32
      %dma_start3A_167 = tpu.memref_slice %arg4[%add3A_158, %dma_start3A_166] : memref<819200x64xf32, #tpu.memory_space<hbm>> -> memref<800x64xf32, #tpu.memory_space<hbm>>
      %dma_start3A_168 = arith.constant 0 : i32
      %dma_start3A_169 = arith.constant 0 : i32
      %dma_start3A_170 = tpu.memref_slice %arg6[%dma_start3A_159, %dma_start3A_168, %dma_start3A_169] : memref<2x800x64xf32, #tpu.memory_space<vmem>> -> memref<1x800x64xf32, #tpu.memory_space<vmem>>
      %dma_start3A_171 = tpu.memref_squeeze %dma_start3A_170 : memref<1x800x64xf32, #tpu.memory_space<vmem>> -> memref<800x64xf32, #tpu.memory_space<vmem>>
      tpu.enqueue_dma source(%dma_start3A_171 : memref<800x64xf32, #tpu.memory_space<vmem>>) target(%dma_start3A_167 : memref<800x64xf32, #tpu.memory_space<hbm>>) target_semaphore(%arg9 : memref<!tpu.dma_semaphore, #tpu.memory_space<semaphore_mem>>)
      %dma_wait3A_172 = arith.constant 1 : i32
      %dma_wait3A_173 = arith.constant 1 : i32
      %dma_wait3A_174 = arith.constant 0 : i32
      %dma_wait3A_175 = arith.constant 0 : i32
      %dma_wait3A_176 = tpu.memref_slice %arg6[%dma_wait3A_173, %dma_wait3A_174, %dma_wait3A_175] : memref<2x800x64xf32, #tpu.memory_space<vmem>> -> memref<1x800x64xf32, #tpu.memory_space<vmem>>
      %dma_wait3A_177 = tpu.memref_squeeze %dma_wait3A_176 : memref<1x800x64xf32, #tpu.memory_space<vmem>> -> memref<800x64xf32, #tpu.memory_space<vmem>>
      %dma_wait3A_178 = arith.constant 0 : i32
      %dma_wait3A_179 = tpu.memref_slice %arg5[%dma_wait3A_172, %dma_wait3A_178] : memref<2x800xi32, #tpu.memory_space<vmem>> -> memref<1x800xi32, #tpu.memory_space<vmem>>
      %dma_wait3A_180 = tpu.memref_squeeze %dma_wait3A_179 : memref<1x800xi32, #tpu.memory_space<vmem>> -> memref<800xi32, #tpu.memory_space<vmem>>
      %dma_wait3A_181 = arith.constant 0 : i32
      %dma_wait3A_182 = arith.constant 0 : i32
      %dma_wait3A_183 = tpu.memref_slice %arg3[%dma_wait3A_181, %dma_wait3A_182] : memref<1000000x64xf32, #tpu.memory_space<hbm>> -> memref<1000000x64xf32, #tpu.memory_space<hbm>>
      tpu.wait_indirect_dma semaphore(%arg8 : memref<!tpu.dma_semaphore, #tpu.memory_space<semaphore_mem>>) src(%dma_wait3A_183 : memref<1000000x64xf32, #tpu.memory_space<hbm>>) dst(%dma_wait3A_177 : memref<800x64xf32, #tpu.memory_space<vmem>>)
      %scan3A_184 = arith.constant 0 : i32
      %scan3A_185 = arith.constant 0 : i32
      %scan3A_186 = arith.constant 200 : i32
      %scan3A_187 = arith.addi %scan3A_185, %scan3A_186 : i32
      %scan3A_188 = arith.constant 1 : i32
      scf.for %scan3A_265 = %scan3A_185 to %scan3A_187 step %scan3A_188  : i32 {
        %mul3A_266 = arith.constant 4 : i32
        %mul3A_267 = arith.muli %scan3A_265, %mul3A_266 : i32
        %add3A_268 = arith.constant 0 : i32
        %add3A_269 = arith.addi %mul3A_267, %add3A_268 : i32
        %get3A = arith.constant 1 : i32
        %get3A_270 = arith.index_cast %get3A : i32 to index
        %get3A_271 = arith.index_cast %add3A_269 : i32 to index
        %get3A_272 = arith.constant 0 : index
        %get3A_273 = tpu.vector_load %arg6[%get3A_270, %get3A_271, %get3A_272] {strides = array<i32>} : memref<2x800x64xf32, #tpu.memory_space<vmem>>, vector<1x1x16xf32>,
        %get3A_274 = vector.shape_cast %get3A_273 : vector<1x1x16xf32> to vector<16xf32>
        %mul3A_275 = arith.constant 8.000000e+00 : f32
        %mul3A_276 = vector.broadcast %mul3A_275 : f32 to vector<16xf32>
        %mul3A_277 = arith.mulf %get3A_274, %mul3A_276 : vector<16xf32>
        %swap3A = arith.constant 1 : i32
        %swap3A_278 = arith.index_cast %swap3A : i32 to index
        %swap3A_279 = arith.index_cast %add3A_269 : i32 to index
        %swap3A_280 = arith.constant 0 : index
        %swap3A_281 = tpu.vector_load %arg6[%swap3A_278, %swap3A_279, %swap3A_280] {strides = array<i32>} : memref<2x800x64xf32, #tpu.memory_space<vmem>>, vector<1x1x16xf32>,
        %swap3A_282 = vector.shape_cast %swap3A_281 : vector<1x1x16xf32> to vector<16xf32>
        %swap3A_283 = vector.shape_cast %mul3A_277 : vector<16xf32> to vector<1x1x16xf32>
        tpu.vector_store %arg6[%swap3A_278, %swap3A_279, %swap3A_280], %swap3A_283 {strides = array<i32>} : memref<2x800x64xf32, #tpu.memory_space<vmem>>, vector<1x1x16xf32>,
        %mul3A_284 = arith.constant 4 : i32
        %mul3A_285 = arith.muli %scan3A_265, %mul3A_284 : i32
        %add3A_286 = arith.constant 0 : i32
        %add3A_287 = arith.addi %mul3A_285, %add3A_286 : i32
        %get3A_288 = arith.constant 1 : i32
        %get3A_289 = arith.index_cast %get3A_288 : i32 to index
        %get3A_290 = arith.index_cast %add3A_287 : i32 to index
        %get3A_291 = arith.constant 16 : index
        %get3A_292 = tpu.vector_load %arg6[%get3A_289, %get3A_290, %get3A_291] {strides = array<i32>} : memref<2x800x64xf32, #tpu.memory_space<vmem>>, vector<1x1x16xf32>,
        %get3A_293 = vector.shape_cast %get3A_292 : vector<1x1x16xf32> to vector<16xf32>
        %mul3A_294 = arith.constant 8.000000e+00 : f32
        %mul3A_295 = vector.broadcast %mul3A_294 : f32 to vector<16xf32>
        %mul3A_296 = arith.mulf %get3A_293, %mul3A_295 : vector<16xf32>
        %swap3A_297 = arith.constant 1 : i32
        %swap3A_298 = arith.index_cast %swap3A_297 : i32 to index
        %swap3A_299 = arith.index_cast %add3A_287 : i32 to index
        %swap3A_300 = arith.constant 16 : index
        %swap3A_301 = tpu.vector_load %arg6[%swap3A_298, %swap3A_299, %swap3A_300] {strides = array<i32>} : memref<2x800x64xf32, #tpu.memory_space<vmem>>, vector<1x1x16xf32>,
        %swap3A_302 = vector.shape_cast %swap3A_301 : vector<1x1x16xf32> to vector<16xf32>
        %swap3A_303 = vector.shape_cast %mul3A_296 : vector<16xf32> to vector<1x1x16xf32>
        tpu.vector_store %arg6[%swap3A_298, %swap3A_299, %swap3A_300], %swap3A_303 {strides = array<i32>} : memref<2x800x64xf32, #tpu.memory_space<vmem>>, vector<1x1x16xf32>,
        %mul3A_304 = arith.constant 4 : i32
        %mul3A_305 = arith.muli %scan3A_265, %mul3A_304 : i32
        %add3A_306 = arith.constant 0 : i32
        %add3A_307 = arith.addi %mul3A_305, %add3A_306 : i32
        %get3A_308 = arith.constant 1 : i32
        %get3A_309 = arith.index_cast %get3A_308 : i32 to index
        %get3A_310 = arith.index_cast %add3A_307 : i32 to index
        %get3A_311 = arith.constant 32 : index
        %get3A_312 = tpu.vector_load %arg6[%get3A_309, %get3A_310, %get3A_311] {strides = array<i32>} : memref<2x800x64xf32, #tpu.memory_space<vmem>>, vector<1x1x16xf32>,
        %get3A_313 = vector.shape_cast %get3A_312 : vector<1x1x16xf32> to vector<16xf32>
        %mul3A_314 = arith.constant 8.000000e+00 : f32
        %mul3A_315 = vector.broadcast %mul3A_314 : f32 to vector<16xf32>
        %mul3A_316 = arith.mulf %get3A_313, %mul3A_315 : vector<16xf32>
        %swap3A_317 = arith.constant 1 : i32
        %swap3A_318 = arith.index_cast %swap3A_317 : i32 to index
        %swap3A_319 = arith.index_cast %add3A_307 : i32 to index
        %swap3A_320 = arith.constant 32 : index
        %swap3A_321 = tpu.vector_load %arg6[%swap3A_318, %swap3A_319, %swap3A_320] {strides = array<i32>} : memref<2x800x64xf32, #tpu.memory_space<vmem>>, vector<1x1x16xf32>,
        %swap3A_322 = vector.shape_cast %swap3A_321 : vector<1x1x16xf32> to vector<16xf32>
        %swap3A_323 = vector.shape_cast %mul3A_316 : vector<16xf32> to vector<1x1x16xf32>
        tpu.vector_store %arg6[%swap3A_318, %swap3A_319, %swap3A_320], %swap3A_323 {strides = array<i32>} : memref<2x800x64xf32, #tpu.memory_space<vmem>>, vector<1x1x16xf32>,
        %mul3A_324 = arith.constant 4 : i32
        %mul3A_325 = arith.muli %scan3A_265, %mul3A_324 : i32
        %add3A_326 = arith.constant 0 : i32
        %add3A_327 = arith.addi %mul3A_325, %add3A_326 : i32
        %get3A_328 = arith.constant 1 : i32
        %get3A_329 = arith.index_cast %get3A_328 : i32 to index
        %get3A_330 = arith.index_cast %add3A_327 : i32 to index
        %get3A_331 = arith.constant 48 : index
        %get3A_332 = tpu.vector_load %arg6[%get3A_329, %get3A_330, %get3A_331] {strides = array<i32>} : memref<2x800x64xf32, #tpu.memory_space<vmem>>, vector<1x1x16xf32>,
        %get3A_333 = vector.shape_cast %get3A_332 : vector<1x1x16xf32> to vector<16xf32>
        %mul3A_334 = arith.constant 8.000000e+00 : f32
        %mul3A_335 = vector.broadcast %mul3A_334 : f32 to vector<16xf32>
        %mul3A_336 = arith.mulf %get3A_333, %mul3A_335 : vector<16xf32>
        %swap3A_337 = arith.constant 1 : i32
        %swap3A_338 = arith.index_cast %swap3A_337 : i32 to index
        %swap3A_339 = arith.index_cast %add3A_327 : i32 to index
        %swap3A_340 = arith.constant 48 : index
        %swap3A_341 = tpu.vector_load %arg6[%swap3A_338, %swap3A_339, %swap3A_340] {strides = array<i32>} : memref<2x800x64xf32, #tpu.memory_space<vmem>>, vector<1x1x16xf32>,
        %swap3A_342 = vector.shape_cast %swap3A_341 : vector<1x1x16xf32> to vector<16xf32>
        %swap3A_343 = vector.shape_cast %mul3A_336 : vector<16xf32> to vector<1x1x16xf32>
        tpu.vector_store %arg6[%swap3A_338, %swap3A_339, %swap3A_340], %swap3A_343 {strides = array<i32>} : memref<2x800x64xf32, #tpu.memory_space<vmem>>, vector<1x1x16xf32>,
        %mul3A_344 = arith.constant 4 : i32
        %mul3A_345 = arith.muli %scan3A_265, %mul3A_344 : i32
        %add3A_346 = arith.constant 1 : i32
        %add3A_347 = arith.addi %mul3A_345, %add3A_346 : i32
        %get3A_348 = arith.constant 1 : i32
        %get3A_349 = arith.index_cast %get3A_348 : i32 to index
        %get3A_350 = arith.index_cast %add3A_347 : i32 to index
        %get3A_351 = arith.constant 0 : index
        %get3A_352 = tpu.vector_load %arg6[%get3A_349, %get3A_350, %get3A_351] {strides = array<i32>} : memref<2x800x64xf32, #tpu.memory_space<vmem>>, vector<1x1x16xf32>,
        %get3A_353 = vector.shape_cast %get3A_352 : vector<1x1x16xf32> to vector<16xf32>
        %mul3A_354 = arith.constant 8.000000e+00 : f32
        %mul3A_355 = vector.broadcast %mul3A_354 : f32 to vector<16xf32>
        %mul3A_356 = arith.mulf %get3A_353, %mul3A_355 : vector<16xf32>
        %swap3A_357 = arith.constant 1 : i32
        %swap3A_358 = arith.index_cast %swap3A_357 : i32 to index
        %swap3A_359 = arith.index_cast %add3A_347 : i32 to index
        %swap3A_360 = arith.constant 0 : index
        %swap3A_361 = tpu.vector_load %arg6[%swap3A_358, %swap3A_359, %swap3A_360] {strides = array<i32>} : memref<2x800x64xf32, #tpu.memory_space<vmem>>, vector<1x1x16xf32>,
        %swap3A_362 = vector.shape_cast %swap3A_361 : vector<1x1x16xf32> to vector<16xf32>
        %swap3A_363 = vector.shape_cast %mul3A_356 : vector<16xf32> to vector<1x1x16xf32>
        tpu.vector_store %arg6[%swap3A_358, %swap3A_359, %swap3A_360], %swap3A_363 {strides = array<i32>} : memref<2x800x64xf32, #tpu.memory_space<vmem>>, vector<1x1x16xf32>,
        %mul3A_364 = arith.constant 4 : i32
        %mul3A_365 = arith.muli %scan3A_265, %mul3A_364 : i32
        %add3A_366 = arith.constant 1 : i32
        %add3A_367 = arith.addi %mul3A_365, %add3A_366 : i32
        %get3A_368 = arith.constant 1 : i32
        %get3A_369 = arith.index_cast %get3A_368 : i32 to index
        %get3A_370 = arith.index_cast %add3A_367 : i32 to index
        %get3A_371 = arith.constant 16 : index
        %get3A_372 = tpu.vector_load %arg6[%get3A_369, %get3A_370, %get3A_371] {strides = array<i32>} : memref<2x800x64xf32, #tpu.memory_space<vmem>>, vector<1x1x16xf32>,
        %get3A_373 = vector.shape_cast %get3A_372 : vector<1x1x16xf32> to vector<16xf32>
        %mul3A_374 = arith.constant 8.000000e+00 : f32
        %mul3A_375 = vector.broadcast %mul3A_374 : f32 to vector<16xf32>
        %mul3A_376 = arith.mulf %get3A_373, %mul3A_375 : vector<16xf32>
        %swap3A_377 = arith.constant 1 : i32
        %swap3A_378 = arith.index_cast %swap3A_377 : i32 to index
        %swap3A_379 = arith.index_cast %add3A_367 : i32 to index
        %swap3A_380 = arith.constant 16 : index
        %swap3A_381 = tpu.vector_load %arg6[%swap3A_378, %swap3A_379, %swap3A_380] {strides = array<i32>} : memref<2x800x64xf32, #tpu.memory_space<vmem>>, vector<1x1x16xf32>,
        %swap3A_382 = vector.shape_cast %swap3A_381 : vector<1x1x16xf32> to vector<16xf32>
        %swap3A_383 = vector.shape_cast %mul3A_376 : vector<16xf32> to vector<1x1x16xf32>
        tpu.vector_store %arg6[%swap3A_378, %swap3A_379, %swap3A_380], %swap3A_383 {strides = array<i32>} : memref<2x800x64xf32, #tpu.memory_space<vmem>>, vector<1x1x16xf32>,
        %mul3A_384 = arith.constant 4 : i32
        %mul3A_385 = arith.muli %scan3A_265, %mul3A_384 : i32
        %add3A_386 = arith.constant 1 : i32
        %add3A_387 = arith.addi %mul3A_385, %add3A_386 : i32
        %get3A_388 = arith.constant 1 : i32
        %get3A_389 = arith.index_cast %get3A_388 : i32 to index
        %get3A_390 = arith.index_cast %add3A_387 : i32 to index
        %get3A_391 = arith.constant 32 : index
        %get3A_392 = tpu.vector_load %arg6[%get3A_389, %get3A_390, %get3A_391] {strides = array<i32>} : memref<2x800x64xf32, #tpu.memory_space<vmem>>, vector<1x1x16xf32>,
        %get3A_393 = vector.shape_cast %get3A_392 : vector<1x1x16xf32> to vector<16xf32>
        %mul3A_394 = arith.constant 8.000000e+00 : f32
        %mul3A_395 = vector.broadcast %mul3A_394 : f32 to vector<16xf32>
        %mul3A_396 = arith.mulf %get3A_393, %mul3A_395 : vector<16xf32>
        %swap3A_397 = arith.constant 1 : i32
        %swap3A_398 = arith.index_cast %swap3A_397 : i32 to index
        %swap3A_399 = arith.index_cast %add3A_387 : i32 to index
        %swap3A_400 = arith.constant 32 : index
        %swap3A_401 = tpu.vector_load %arg6[%swap3A_398, %swap3A_399, %swap3A_400] {strides = array<i32>} : memref<2x800x64xf32, #tpu.memory_space<vmem>>, vector<1x1x16xf32>,
        %swap3A_402 = vector.shape_cast %swap3A_401 : vector<1x1x16xf32> to vector<16xf32>
        %swap3A_403 = vector.shape_cast %mul3A_396 : vector<16xf32> to vector<1x1x16xf32>
        tpu.vector_store %arg6[%swap3A_398, %swap3A_399, %swap3A_400], %swap3A_403 {strides = array<i32>} : memref<2x800x64xf32, #tpu.memory_space<vmem>>, vector<1x1x16xf32>,
        %mul3A_404 = arith.constant 4 : i32
        %mul3A_405 = arith.muli %scan3A_265, %mul3A_404 : i32
        %add3A_406 = arith.constant 1 : i32
        %add3A_407 = arith.addi %mul3A_405, %add3A_406 : i32
        %get3A_408 = arith.constant 1 : i32
        %get3A_409 = arith.index_cast %get3A_408 : i32 to index
        %get3A_410 = arith.index_cast %add3A_407 : i32 to index
        %get3A_411 = arith.constant 48 : index
        %get3A_412 = tpu.vector_load %arg6[%get3A_409, %get3A_410, %get3A_411] {strides = array<i32>} : memref<2x800x64xf32, #tpu.memory_space<vmem>>, vector<1x1x16xf32>,
        %get3A_413 = vector.shape_cast %get3A_412 : vector<1x1x16xf32> to vector<16xf32>
        %mul3A_414 = arith.constant 8.000000e+00 : f32
        %mul3A_415 = vector.broadcast %mul3A_414 : f32 to vector<16xf32>
        %mul3A_416 = arith.mulf %get3A_413, %mul3A_415 : vector<16xf32>
        %swap3A_417 = arith.constant 1 : i32
        %swap3A_418 = arith.index_cast %swap3A_417 : i32 to index
        %swap3A_419 = arith.index_cast %add3A_407 : i32 to index
        %swap3A_420 = arith.constant 48 : index
        %swap3A_421 = tpu.vector_load %arg6[%swap3A_418, %swap3A_419, %swap3A_420] {strides = array<i32>} : memref<2x800x64xf32, #tpu.memory_space<vmem>>, vector<1x1x16xf32>,
        %swap3A_422 = vector.shape_cast %swap3A_421 : vector<1x1x16xf32> to vector<16xf32>
        %swap3A_423 = vector.shape_cast %mul3A_416 : vector<16xf32> to vector<1x1x16xf32>
        tpu.vector_store %arg6[%swap3A_418, %swap3A_419, %swap3A_420], %swap3A_423 {strides = array<i32>} : memref<2x800x64xf32, #tpu.memory_space<vmem>>, vector<1x1x16xf32>,
        %mul3A_424 = arith.constant 4 : i32
        %mul3A_425 = arith.muli %scan3A_265, %mul3A_424 : i32
        %add3A_426 = arith.constant 2 : i32
        %add3A_427 = arith.addi %mul3A_425, %add3A_426 : i32
        %get3A_428 = arith.constant 1 : i32
        %get3A_429 = arith.index_cast %get3A_428 : i32 to index
        %get3A_430 = arith.index_cast %add3A_427 : i32 to index
        %get3A_431 = arith.constant 0 : index
        %get3A_432 = tpu.vector_load %arg6[%get3A_429, %get3A_430, %get3A_431] {strides = array<i32>} : memref<2x800x64xf32, #tpu.memory_space<vmem>>, vector<1x1x16xf32>,
        %get3A_433 = vector.shape_cast %get3A_432 : vector<1x1x16xf32> to vector<16xf32>
        %mul3A_434 = arith.constant 8.000000e+00 : f32
        %mul3A_435 = vector.broadcast %mul3A_434 : f32 to vector<16xf32>
        %mul3A_436 = arith.mulf %get3A_433, %mul3A_435 : vector<16xf32>
        %swap3A_437 = arith.constant 1 : i32
        %swap3A_438 = arith.index_cast %swap3A_437 : i32 to index
        %swap3A_439 = arith.index_cast %add3A_427 : i32 to index
        %swap3A_440 = arith.constant 0 : index
        %swap3A_441 = tpu.vector_load %arg6[%swap3A_438, %swap3A_439, %swap3A_440] {strides = array<i32>} : memref<2x800x64xf32, #tpu.memory_space<vmem>>, vector<1x1x16xf32>,
        %swap3A_442 = vector.shape_cast %swap3A_441 : vector<1x1x16xf32> to vector<16xf32>
        %swap3A_443 = vector.shape_cast %mul3A_436 : vector<16xf32> to vector<1x1x16xf32>
        tpu.vector_store %arg6[%swap3A_438, %swap3A_439, %swap3A_440], %swap3A_443 {strides = array<i32>} : memref<2x800x64xf32, #tpu.memory_space<vmem>>, vector<1x1x16xf32>,
        %mul3A_444 = arith.constant 4 : i32
        %mul3A_445 = arith.muli %scan3A_265, %mul3A_444 : i32
        %add3A_446 = arith.constant 2 : i32
        %add3A_447 = arith.addi %mul3A_445, %add3A_446 : i32
        %get3A_448 = arith.constant 1 : i32
        %get3A_449 = arith.index_cast %get3A_448 : i32 to index
        %get3A_450 = arith.index_cast %add3A_447 : i32 to index
        %get3A_451 = arith.constant 16 : index
        %get3A_452 = tpu.vector_load %arg6[%get3A_449, %get3A_450, %get3A_451] {strides = array<i32>} : memref<2x800x64xf32, #tpu.memory_space<vmem>>, vector<1x1x16xf32>,
        %get3A_453 = vector.shape_cast %get3A_452 : vector<1x1x16xf32> to vector<16xf32>
        %mul3A_454 = arith.constant 8.000000e+00 : f32
        %mul3A_455 = vector.broadcast %mul3A_454 : f32 to vector<16xf32>
        %mul3A_456 = arith.mulf %get3A_453, %mul3A_455 : vector<16xf32>
        %swap3A_457 = arith.constant 1 : i32
        %swap3A_458 = arith.index_cast %swap3A_457 : i32 to index
        %swap3A_459 = arith.index_cast %add3A_447 : i32 to index
        %swap3A_460 = arith.constant 16 : index
        %swap3A_461 = tpu.vector_load %arg6[%swap3A_458, %swap3A_459, %swap3A_460] {strides = array<i32>} : memref<2x800x64xf32, #tpu.memory_space<vmem>>, vector<1x1x16xf32>,
        %swap3A_462 = vector.shape_cast %swap3A_461 : vector<1x1x16xf32> to vector<16xf32>
        %swap3A_463 = vector.shape_cast %mul3A_456 : vector<16xf32> to vector<1x1x16xf32>
        tpu.vector_store %arg6[%swap3A_458, %swap3A_459, %swap3A_460], %swap3A_463 {strides = array<i32>} : memref<2x800x64xf32, #tpu.memory_space<vmem>>, vector<1x1x16xf32>,
        %mul3A_464 = arith.constant 4 : i32
        %mul3A_465 = arith.muli %scan3A_265, %mul3A_464 : i32
        %add3A_466 = arith.constant 2 : i32
        %add3A_467 = arith.addi %mul3A_465, %add3A_466 : i32
        %get3A_468 = arith.constant 1 : i32
        %get3A_469 = arith.index_cast %get3A_468 : i32 to index
        %get3A_470 = arith.index_cast %add3A_467 : i32 to index
        %get3A_471 = arith.constant 32 : index
        %get3A_472 = tpu.vector_load %arg6[%get3A_469, %get3A_470, %get3A_471] {strides = array<i32>} : memref<2x800x64xf32, #tpu.memory_space<vmem>>, vector<1x1x16xf32>,
        %get3A_473 = vector.shape_cast %get3A_472 : vector<1x1x16xf32> to vector<16xf32>
        %mul3A_474 = arith.constant 8.000000e+00 : f32
        %mul3A_475 = vector.broadcast %mul3A_474 : f32 to vector<16xf32>
        %mul3A_476 = arith.mulf %get3A_473, %mul3A_475 : vector<16xf32>
        %swap3A_477 = arith.constant 1 : i32
        %swap3A_478 = arith.index_cast %swap3A_477 : i32 to index
        %swap3A_479 = arith.index_cast %add3A_467 : i32 to index
        %swap3A_480 = arith.constant 32 : index
        %swap3A_481 = tpu.vector_load %arg6[%swap3A_478, %swap3A_479, %swap3A_480] {strides = array<i32>} : memref<2x800x64xf32, #tpu.memory_space<vmem>>, vector<1x1x16xf32>,
        %swap3A_482 = vector.shape_cast %swap3A_481 : vector<1x1x16xf32> to vector<16xf32>
        %swap3A_483 = vector.shape_cast %mul3A_476 : vector<16xf32> to vector<1x1x16xf32>
        tpu.vector_store %arg6[%swap3A_478, %swap3A_479, %swap3A_480], %swap3A_483 {strides = array<i32>} : memref<2x800x64xf32, #tpu.memory_space<vmem>>, vector<1x1x16xf32>,
        %mul3A_484 = arith.constant 4 : i32
        %mul3A_485 = arith.muli %scan3A_265, %mul3A_484 : i32
        %add3A_486 = arith.constant 2 : i32
        %add3A_487 = arith.addi %mul3A_485, %add3A_486 : i32
        %get3A_488 = arith.constant 1 : i32
        %get3A_489 = arith.index_cast %get3A_488 : i32 to index
        %get3A_490 = arith.index_cast %add3A_487 : i32 to index
        %get3A_491 = arith.constant 48 : index
        %get3A_492 = tpu.vector_load %arg6[%get3A_489, %get3A_490, %get3A_491] {strides = array<i32>} : memref<2x800x64xf32, #tpu.memory_space<vmem>>, vector<1x1x16xf32>,
        %get3A_493 = vector.shape_cast %get3A_492 : vector<1x1x16xf32> to vector<16xf32>
        %mul3A_494 = arith.constant 8.000000e+00 : f32
        %mul3A_495 = vector.broadcast %mul3A_494 : f32 to vector<16xf32>
        %mul3A_496 = arith.mulf %get3A_493, %mul3A_495 : vector<16xf32>
        %swap3A_497 = arith.constant 1 : i32
        %swap3A_498 = arith.index_cast %swap3A_497 : i32 to index
        %swap3A_499 = arith.index_cast %add3A_487 : i32 to index
        %swap3A_500 = arith.constant 48 : index
        %swap3A_501 = tpu.vector_load %arg6[%swap3A_498, %swap3A_499, %swap3A_500] {strides = array<i32>} : memref<2x800x64xf32, #tpu.memory_space<vmem>>, vector<1x1x16xf32>,
        %swap3A_502 = vector.shape_cast %swap3A_501 : vector<1x1x16xf32> to vector<16xf32>
        %swap3A_503 = vector.shape_cast %mul3A_496 : vector<16xf32> to vector<1x1x16xf32>
        tpu.vector_store %arg6[%swap3A_498, %swap3A_499, %swap3A_500], %swap3A_503 {strides = array<i32>} : memref<2x800x64xf32, #tpu.memory_space<vmem>>, vector<1x1x16xf32>,
        %mul3A_504 = arith.constant 4 : i32
        %mul3A_505 = arith.muli %scan3A_265, %mul3A_504 : i32
        %add3A_506 = arith.constant 3 : i32
        %add3A_507 = arith.addi %mul3A_505, %add3A_506 : i32
        %get3A_508 = arith.constant 1 : i32
        %get3A_509 = arith.index_cast %get3A_508 : i32 to index
        %get3A_510 = arith.index_cast %add3A_507 : i32 to index
        %get3A_511 = arith.constant 0 : index
        %get3A_512 = tpu.vector_load %arg6[%get3A_509, %get3A_510, %get3A_511] {strides = array<i32>} : memref<2x800x64xf32, #tpu.memory_space<vmem>>, vector<1x1x16xf32>,
        %get3A_513 = vector.shape_cast %get3A_512 : vector<1x1x16xf32> to vector<16xf32>
        %mul3A_514 = arith.constant 8.000000e+00 : f32
        %mul3A_515 = vector.broadcast %mul3A_514 : f32 to vector<16xf32>
        %mul3A_516 = arith.mulf %get3A_513, %mul3A_515 : vector<16xf32>
        %swap3A_517 = arith.constant 1 : i32
        %swap3A_518 = arith.index_cast %swap3A_517 : i32 to index
        %swap3A_519 = arith.index_cast %add3A_507 : i32 to index
        %swap3A_520 = arith.constant 0 : index
        %swap3A_521 = tpu.vector_load %arg6[%swap3A_518, %swap3A_519, %swap3A_520] {strides = array<i32>} : memref<2x800x64xf32, #tpu.memory_space<vmem>>, vector<1x1x16xf32>,
        %swap3A_522 = vector.shape_cast %swap3A_521 : vector<1x1x16xf32> to vector<16xf32>
        %swap3A_523 = vector.shape_cast %mul3A_516 : vector<16xf32> to vector<1x1x16xf32>
        tpu.vector_store %arg6[%swap3A_518, %swap3A_519, %swap3A_520], %swap3A_523 {strides = array<i32>} : memref<2x800x64xf32, #tpu.memory_space<vmem>>, vector<1x1x16xf32>,
        %mul3A_524 = arith.constant 4 : i32
        %mul3A_525 = arith.muli %scan3A_265, %mul3A_524 : i32
        %add3A_526 = arith.constant 3 : i32
        %add3A_527 = arith.addi %mul3A_525, %add3A_526 : i32
        %get3A_528 = arith.constant 1 : i32
        %get3A_529 = arith.index_cast %get3A_528 : i32 to index
        %get3A_530 = arith.index_cast %add3A_527 : i32 to index
        %get3A_531 = arith.constant 16 : index
        %get3A_532 = tpu.vector_load %arg6[%get3A_529, %get3A_530, %get3A_531] {strides = array<i32>} : memref<2x800x64xf32, #tpu.memory_space<vmem>>, vector<1x1x16xf32>,
        %get3A_533 = vector.shape_cast %get3A_532 : vector<1x1x16xf32> to vector<16xf32>
        %mul3A_534 = arith.constant 8.000000e+00 : f32
        %mul3A_535 = vector.broadcast %mul3A_534 : f32 to vector<16xf32>
        %mul3A_536 = arith.mulf %get3A_533, %mul3A_535 : vector<16xf32>
        %swap3A_537 = arith.constant 1 : i32
        %swap3A_538 = arith.index_cast %swap3A_537 : i32 to index
        %swap3A_539 = arith.index_cast %add3A_527 : i32 to index
        %swap3A_540 = arith.constant 16 : index
        %swap3A_541 = tpu.vector_load %arg6[%swap3A_538, %swap3A_539, %swap3A_540] {strides = array<i32>} : memref<2x800x64xf32, #tpu.memory_space<vmem>>, vector<1x1x16xf32>,
        %swap3A_542 = vector.shape_cast %swap3A_541 : vector<1x1x16xf32> to vector<16xf32>
        %swap3A_543 = vector.shape_cast %mul3A_536 : vector<16xf32> to vector<1x1x16xf32>
        tpu.vector_store %arg6[%swap3A_538, %swap3A_539, %swap3A_540], %swap3A_543 {strides = array<i32>} : memref<2x800x64xf32, #tpu.memory_space<vmem>>, vector<1x1x16xf32>,
        %mul3A_544 = arith.constant 4 : i32
        %mul3A_545 = arith.muli %scan3A_265, %mul3A_544 : i32
        %add3A_546 = arith.constant 3 : i32
        %add3A_547 = arith.addi %mul3A_545, %add3A_546 : i32
        %get3A_548 = arith.constant 1 : i32
        %get3A_549 = arith.index_cast %get3A_548 : i32 to index
        %get3A_550 = arith.index_cast %add3A_547 : i32 to index
        %get3A_551 = arith.constant 32 : index
        %get3A_552 = tpu.vector_load %arg6[%get3A_549, %get3A_550, %get3A_551] {strides = array<i32>} : memref<2x800x64xf32, #tpu.memory_space<vmem>>, vector<1x1x16xf32>,
        %get3A_553 = vector.shape_cast %get3A_552 : vector<1x1x16xf32> to vector<16xf32>
        %mul3A_554 = arith.constant 8.000000e+00 : f32
        %mul3A_555 = vector.broadcast %mul3A_554 : f32 to vector<16xf32>
        %mul3A_556 = arith.mulf %get3A_553, %mul3A_555 : vector<16xf32>
        %swap3A_557 = arith.constant 1 : i32
        %swap3A_558 = arith.index_cast %swap3A_557 : i32 to index
        %swap3A_559 = arith.index_cast %add3A_547 : i32 to index
        %swap3A_560 = arith.constant 32 : index
        %swap3A_561 = tpu.vector_load %arg6[%swap3A_558, %swap3A_559, %swap3A_560] {strides = array<i32>} : memref<2x800x64xf32, #tpu.memory_space<vmem>>, vector<1x1x16xf32>,
        %swap3A_562 = vector.shape_cast %swap3A_561 : vector<1x1x16xf32> to vector<16xf32>
        %swap3A_563 = vector.shape_cast %mul3A_556 : vector<16xf32> to vector<1x1x16xf32>
        tpu.vector_store %arg6[%swap3A_558, %swap3A_559, %swap3A_560], %swap3A_563 {strides = array<i32>} : memref<2x800x64xf32, #tpu.memory_space<vmem>>, vector<1x1x16xf32>,
        %mul3A_564 = arith.constant 4 : i32
        %mul3A_565 = arith.muli %scan3A_265, %mul3A_564 : i32
        %add3A_566 = arith.constant 3 : i32
        %add3A_567 = arith.addi %mul3A_565, %add3A_566 : i32
        %get3A_568 = arith.constant 1 : i32
        %get3A_569 = arith.index_cast %get3A_568 : i32 to index
        %get3A_570 = arith.index_cast %add3A_567 : i32 to index
        %get3A_571 = arith.constant 48 : index
        %get3A_572 = tpu.vector_load %arg6[%get3A_569, %get3A_570, %get3A_571] {strides = array<i32>} : memref<2x800x64xf32, #tpu.memory_space<vmem>>, vector<1x1x16xf32>,
        %get3A_573 = vector.shape_cast %get3A_572 : vector<1x1x16xf32> to vector<16xf32>
        %mul3A_574 = arith.constant 8.000000e+00 : f32
        %mul3A_575 = vector.broadcast %mul3A_574 : f32 to vector<16xf32>
        %mul3A_576 = arith.mulf %get3A_573, %mul3A_575 : vector<16xf32>
        %swap3A_577 = arith.constant 1 : i32
        %swap3A_578 = arith.index_cast %swap3A_577 : i32 to index
        %swap3A_579 = arith.index_cast %add3A_567 : i32 to index
        %swap3A_580 = arith.constant 48 : index
        %swap3A_581 = tpu.vector_load %arg6[%swap3A_578, %swap3A_579, %swap3A_580] {strides = array<i32>} : memref<2x800x64xf32, #tpu.memory_space<vmem>>, vector<1x1x16xf32>,
        %swap3A_582 = vector.shape_cast %swap3A_581 : vector<1x1x16xf32> to vector<16xf32>
        %swap3A_583 = vector.shape_cast %mul3A_576 : vector<16xf32> to vector<1x1x16xf32>
        tpu.vector_store %arg6[%swap3A_578, %swap3A_579, %swap3A_580], %swap3A_583 {strides = array<i32>} : memref<2x800x64xf32, #tpu.memory_space<vmem>>, vector<1x1x16xf32>,
      }
      %scan3A_189 = arith.constant 200 : i32
      %add3A_190 = arith.constant 800 : i32
      %add3A_191 = arith.addi %add3A_138, %add3A_190 : i32
      %dma_start3A_192 = arith.constant 1 : i32
      %dma_start3A_193 = arith.constant 0 : i32
      %dma_start3A_194 = arith.constant 0 : i32
      %dma_start3A_195 = tpu.memref_slice %arg6[%dma_start3A_192, %dma_start3A_193, %dma_start3A_194] : memref<2x800x64xf32, #tpu.memory_space<vmem>> -> memref<1x800x64xf32, #tpu.memory_space<vmem>>
      %dma_start3A_196 = tpu.memref_squeeze %dma_start3A_195 : memref<1x800x64xf32, #tpu.memory_space<vmem>> -> memref<800x64xf32, #tpu.memory_space<vmem>>
      %dma_start3A_197 = arith.constant 0 : i32
      %dma_start3A_198 = tpu.memref_slice %arg4[%add3A_191, %dma_start3A_197] : memref<819200x64xf32, #tpu.memory_space<hbm>> -> memref<800x64xf32, #tpu.memory_space<hbm>>
      %dma_start3A_199 = arith.constant 0 : i32
      %dma_start3A_200 = tpu.memref_slice %arg4[%add3A_191, %dma_start3A_199] : memref<819200x64xf32, #tpu.memory_space<hbm>> -> memref<800x64xf32, #tpu.memory_space<hbm>>
      %dma_start3A_201 = arith.constant 0 : i32
      %dma_start3A_202 = arith.constant 0 : i32
      %dma_start3A_203 = tpu.memref_slice %arg6[%dma_start3A_192, %dma_start3A_201, %dma_start3A_202] : memref<2x800x64xf32, #tpu.memory_space<vmem>> -> memref<1x800x64xf32, #tpu.memory_space<vmem>>
      %dma_start3A_204 = tpu.memref_squeeze %dma_start3A_203 : memref<1x800x64xf32, #tpu.memory_space<vmem>> -> memref<800x64xf32, #tpu.memory_space<vmem>>
      tpu.enqueue_dma source(%dma_start3A_204 : memref<800x64xf32, #tpu.memory_space<vmem>>) target(%dma_start3A_200 : memref<800x64xf32, #tpu.memory_space<hbm>>) target_semaphore(%arg10 : memref<!tpu.dma_semaphore, #tpu.memory_space<semaphore_mem>>)
      %add3A_205 = arith.constant 0 : i32
      %add3A_206 = arith.addi %add3A_138, %add3A_205 : i32
      %dma_wait3A_207 = arith.constant 0 : i32
      %dma_wait3A_208 = arith.constant 0 : i32
      %dma_wait3A_209 = arith.constant 0 : i32
      %dma_wait3A_210 = tpu.memref_slice %arg6[%dma_wait3A_207, %dma_wait3A_208, %dma_wait3A_209] : memref<2x800x64xf32, #tpu.memory_space<vmem>> -> memref<1x800x64xf32, #tpu.memory_space<vmem>>
      %dma_wait3A_211 = tpu.memref_squeeze %dma_wait3A_210 : memref<1x800x64xf32, #tpu.memory_space<vmem>> -> memref<800x64xf32, #tpu.memory_space<vmem>>
      %dma_wait3A_212 = arith.constant 0 : i32
      %dma_wait3A_213 = tpu.memref_slice %arg4[%add3A_206, %dma_wait3A_212] : memref<819200x64xf32, #tpu.memory_space<hbm>> -> memref<800x64xf32, #tpu.memory_space<hbm>>
      %dma_wait3A_214 = arith.constant 0 : i32
      %dma_wait3A_215 = tpu.memref_slice %arg4[%add3A_206, %dma_wait3A_214] : memref<819200x64xf32, #tpu.memory_space<hbm>> -> memref<800x64xf32, #tpu.memory_space<hbm>>
      %dma_wait3A_216 = arith.constant 0 : i32
      %dma_wait3A_217 = arith.constant 0 : i32
      %dma_wait3A_218 = tpu.memref_slice %arg6[%dma_wait3A_207, %dma_wait3A_216, %dma_wait3A_217] : memref<2x800x64xf32, #tpu.memory_space<vmem>> -> memref<1x800x64xf32, #tpu.memory_space<vmem>>
      %dma_wait3A_219 = tpu.memref_squeeze %dma_wait3A_218 : memref<1x800x64xf32, #tpu.memory_space<vmem>> -> memref<800x64xf32, #tpu.memory_space<vmem>>
      tpu.wait_dma2 semaphore(%arg9 : memref<!tpu.dma_semaphore, #tpu.memory_space<semaphore_mem>>) src(%dma_wait3A_219 : memref<800x64xf32, #tpu.memory_space<vmem>>) dst(%dma_wait3A_215 : memref<800x64xf32, #tpu.memory_space<hbm>>)
      %add3A_220 = arith.constant 1600 : i32
      %add3A_221 = arith.addi %add3A_138, %add3A_220 : i32
      %run_scoped3A_222 = arith.constant 0 : i32
      "tpu.region"() ({
        %run_scoped3A_265 = tpu.sem_alloc : memref<!tpu.dma_semaphore, #tpu.memory_space<semaphore_mem>>
        %dma_start3A_266 = arith.constant 0 : i32
        %dma_start3A_267 = tpu.memref_slice %arg5[%run_scoped3A_222, %dma_start3A_266] : memref<2x800xi32, #tpu.memory_space<vmem>> -> memref<1x800xi32, #tpu.memory_space<vmem>>
        %dma_start3A_268 = tpu.memref_squeeze %dma_start3A_267 : memref<1x800xi32, #tpu.memory_space<vmem>> -> memref<800xi32, #tpu.memory_space<vmem>>
        %dma_start3A_269 = tpu.memref_slice %arg2[%add3A_221] : memref<819200xi32, #tpu.memory_space<hbm>> -> memref<800xi32, #tpu.memory_space<hbm>>
        %dma_start3A_270 = arith.constant 0 : i32
        %dma_start3A_271 = tpu.memref_slice %arg5[%run_scoped3A_222, %dma_start3A_270] : memref<2x800xi32, #tpu.memory_space<vmem>> -> memref<1x800xi32, #tpu.memory_space<vmem>>
        %dma_start3A_272 = tpu.memref_squeeze %dma_start3A_271 : memref<1x800xi32, #tpu.memory_space<vmem>> -> memref<800xi32, #tpu.memory_space<vmem>>
        %dma_start3A_273 = tpu.memref_slice %arg2[%add3A_221] : memref<819200xi32, #tpu.memory_space<hbm>> -> memref<800xi32, #tpu.memory_space<hbm>>
        tpu.enqueue_dma source(%dma_start3A_273 : memref<800xi32, #tpu.memory_space<hbm>>) target(%dma_start3A_272 : memref<800xi32, #tpu.memory_space<vmem>>) target_semaphore(%run_scoped3A_265 : memref<!tpu.dma_semaphore, #tpu.memory_space<semaphore_mem>>)
        %dma_wait3A_274 = arith.constant 0 : i32
        %dma_wait3A_275 = tpu.memref_slice %arg5[%run_scoped3A_222, %dma_wait3A_274] : memref<2x800xi32, #tpu.memory_space<vmem>> -> memref<1x800xi32, #tpu.memory_space<vmem>>
        %dma_wait3A_276 = tpu.memref_squeeze %dma_wait3A_275 : memref<1x800xi32, #tpu.memory_space<vmem>> -> memref<800xi32, #tpu.memory_space<vmem>>
        %dma_wait3A_277 = tpu.memref_slice %arg2[%add3A_221] : memref<819200xi32, #tpu.memory_space<hbm>> -> memref<800xi32, #tpu.memory_space<hbm>>
        %dma_wait3A_278 = arith.constant 0 : i32
        %dma_wait3A_279 = tpu.memref_slice %arg5[%run_scoped3A_222, %dma_wait3A_278] : memref<2x800xi32, #tpu.memory_space<vmem>> -> memref<1x800xi32, #tpu.memory_space<vmem>>
        %dma_wait3A_280 = tpu.memref_squeeze %dma_wait3A_279 : memref<1x800xi32, #tpu.memory_space<vmem>> -> memref<800xi32, #tpu.memory_space<vmem>>
        %dma_wait3A_281 = tpu.memref_slice %arg2[%add3A_221] : memref<819200xi32, #tpu.memory_space<hbm>> -> memref<800xi32, #tpu.memory_space<hbm>>
        tpu.wait_dma2 semaphore(%run_scoped3A_265 : memref<!tpu.dma_semaphore, #tpu.memory_space<semaphore_mem>>) src(%dma_wait3A_281 : memref<800xi32, #tpu.memory_space<hbm>>) dst(%dma_wait3A_280 : memref<800xi32, #tpu.memory_space<vmem>>)
        tpu.yield
      }) : () -> ()
      %dma_start3A_223 = arith.constant 0 : i32
      %dma_start3A_224 = arith.constant 0 : i32
      %dma_start3A_225 = arith.constant 0 : i32
      %dma_start3A_226 = arith.constant 0 : i32
      %dma_start3A_227 = tpu.memref_slice %arg6[%dma_start3A_224, %dma_start3A_225, %dma_start3A_226] : memref<2x800x64xf32, #tpu.memory_space<vmem>> -> memref<1x800x64xf32, #tpu.memory_space<vmem>>
      %dma_start3A_228 = tpu.memref_squeeze %dma_start3A_227 : memref<1x800x64xf32, #tpu.memory_space<vmem>> -> memref<800x64xf32, #tpu.memory_space<vmem>>
      %dma_start3A_229 = arith.constant 0 : i32
      %dma_start3A_230 = tpu.memref_slice %arg5[%dma_start3A_223, %dma_start3A_229] : memref<2x800xi32, #tpu.memory_space<vmem>> -> memref<1x800xi32, #tpu.memory_space<vmem>>
      %dma_start3A_231 = tpu.memref_squeeze %dma_start3A_230 : memref<1x800xi32, #tpu.memory_space<vmem>> -> memref<800xi32, #tpu.memory_space<vmem>>
      %dma_start3A_232 = arith.constant 0 : i32
      %dma_start3A_233 = arith.constant 0 : i32
      %dma_start3A_234 = tpu.memref_slice %arg3[%dma_start3A_232, %dma_start3A_233] : memref<1000000x64xf32, #tpu.memory_space<hbm>> -> memref<1000000x64xf32, #tpu.memory_space<hbm>>
      tpu.enqueue_indirect_dma source(%dma_start3A_234 : memref<1000000x64xf32, #tpu.memory_space<hbm>>) target(%dma_start3A_228 : memref<800x64xf32, #tpu.memory_space<vmem>>) offsets(%dma_start3A_231 : memref<800xi32, #tpu.memory_space<vmem>>) semaphore(%arg7 : memref<!tpu.dma_semaphore, #tpu.memory_space<semaphore_mem>>)
      %add3A_235 = arith.constant 800 : i32
      %add3A_236 = arith.addi %add3A_138, %add3A_235 : i32
      %dma_wait3A_237 = arith.constant 1 : i32
      %dma_wait3A_238 = arith.constant 0 : i32
      %dma_wait3A_239 = arith.constant 0 : i32
      %dma_wait3A_240 = tpu.memref_slice %arg6[%dma_wait3A_237, %dma_wait3A_238, %dma_wait3A_239] : memref<2x800x64xf32, #tpu.memory_space<vmem>> -> memref<1x800x64xf32, #tpu.memory_space<vmem>>
      %dma_wait3A_241 = tpu.memref_squeeze %dma_wait3A_240 : memref<1x800x64xf32, #tpu.memory_space<vmem>> -> memref<800x64xf32, #tpu.memory_space<vmem>>
      %dma_wait3A_242 = arith.constant 0 : i32
      %dma_wait3A_243 = tpu.memref_slice %arg4[%add3A_236, %dma_wait3A_242] : memref<819200x64xf32, #tpu.memory_space<hbm>> -> memref<800x64xf32, #tpu.memory_space<hbm>>
      %dma_wait3A_244 = arith.constant 0 : i32
      %dma_wait3A_245 = tpu.memref_slice %arg4[%add3A_236, %dma_wait3A_244] : memref<819200x64xf32, #tpu.memory_space<hbm>> -> memref<800x64xf32, #tpu.memory_space<hbm>>
      %dma_wait3A_246 = arith.constant 0 : i32
      %dma_wait3A_247 = arith.constant 0 : i32
      %dma_wait3A_248 = tpu.memref_slice %arg6[%dma_wait3A_237, %dma_wait3A_246, %dma_wait3A_247] : memref<2x800x64xf32, #tpu.memory_space<vmem>> -> memref<1x800x64xf32, #tpu.memory_space<vmem>>
      %dma_wait3A_249 = tpu.memref_squeeze %dma_wait3A_248 : memref<1x800x64xf32, #tpu.memory_space<vmem>> -> memref<800x64xf32, #tpu.memory_space<vmem>>
      tpu.wait_dma2 semaphore(%arg10 : memref<!tpu.dma_semaphore, #tpu.memory_space<semaphore_mem>>) src(%dma_wait3A_249 : memref<800x64xf32, #tpu.memory_space<vmem>>) dst(%dma_wait3A_245 : memref<800x64xf32, #tpu.memory_space<hbm>>)
      %add3A_250 = arith.constant 2400 : i32
      %add3A_251 = arith.addi %add3A_138, %add3A_250 : i32
      %run_scoped3A_252 = arith.constant 1 : i32
      "tpu.region"() ({
        %run_scoped3A_265 = tpu.sem_alloc : memref<!tpu.dma_semaphore, #tpu.memory_space<semaphore_mem>>
        %dma_start3A_266 = arith.constant 0 : i32
        %dma_start3A_267 = tpu.memref_slice %arg5[%run_scoped3A_252, %dma_start3A_266] : memref<2x800xi32, #tpu.memory_space<vmem>> -> memref<1x800xi32, #tpu.memory_space<vmem>>
        %dma_start3A_268 = tpu.memref_squeeze %dma_start3A_267 : memref<1x800xi32, #tpu.memory_space<vmem>> -> memref<800xi32, #tpu.memory_space<vmem>>
        %dma_start3A_269 = tpu.memref_slice %arg2[%add3A_251] : memref<819200xi32, #tpu.memory_space<hbm>> -> memref<800xi32, #tpu.memory_space<hbm>>
        %dma_start3A_270 = arith.constant 0 : i32
        %dma_start3A_271 = tpu.memref_slice %arg5[%run_scoped3A_252, %dma_start3A_270] : memref<2x800xi32, #tpu.memory_space<vmem>> -> memref<1x800xi32, #tpu.memory_space<vmem>>
        %dma_start3A_272 = tpu.memref_squeeze %dma_start3A_271 : memref<1x800xi32, #tpu.memory_space<vmem>> -> memref<800xi32, #tpu.memory_space<vmem>>
        %dma_start3A_273 = tpu.memref_slice %arg2[%add3A_251] : memref<819200xi32, #tpu.memory_space<hbm>> -> memref<800xi32, #tpu.memory_space<hbm>>
        tpu.enqueue_dma source(%dma_start3A_273 : memref<800xi32, #tpu.memory_space<hbm>>) target(%dma_start3A_272 : memref<800xi32, #tpu.memory_space<vmem>>) target_semaphore(%run_scoped3A_265 : memref<!tpu.dma_semaphore, #tpu.memory_space<semaphore_mem>>)
        %dma_wait3A_274 = arith.constant 0 : i32
        %dma_wait3A_275 = tpu.memref_slice %arg5[%run_scoped3A_252, %dma_wait3A_274] : memref<2x800xi32, #tpu.memory_space<vmem>> -> memref<1x800xi32, #tpu.memory_space<vmem>>
        %dma_wait3A_276 = tpu.memref_squeeze %dma_wait3A_275 : memref<1x800xi32, #tpu.memory_space<vmem>> -> memref<800xi32, #tpu.memory_space<vmem>>
        %dma_wait3A_277 = tpu.memref_slice %arg2[%add3A_251] : memref<819200xi32, #tpu.memory_space<hbm>> -> memref<800xi32, #tpu.memory_space<hbm>>
        %dma_wait3A_278 = arith.constant 0 : i32
        %dma_wait3A_279 = tpu.memref_slice %arg5[%run_scoped3A_252, %dma_wait3A_278] : memref<2x800xi32, #tpu.memory_space<vmem>> -> memref<1x800xi32, #tpu.memory_space<vmem>>
        %dma_wait3A_280 = tpu.memref_squeeze %dma_wait3A_279 : memref<1x800xi32, #tpu.memory_space<vmem>> -> memref<800xi32, #tpu.memory_space<vmem>>
        %dma_wait3A_281 = tpu.memref_slice %arg2[%add3A_251] : memref<819200xi32, #tpu.memory_space<hbm>> -> memref<800xi32, #tpu.memory_space<hbm>>
        tpu.wait_dma2 semaphore(%run_scoped3A_265 : memref<!tpu.dma_semaphore, #tpu.memory_space<semaphore_mem>>) src(%dma_wait3A_281 : memref<800xi32, #tpu.memory_space<hbm>>) dst(%dma_wait3A_280 : memref<800xi32, #tpu.memory_space<vmem>>)
        tpu.yield
      }) : () -> ()
      %dma_start3A_253 = arith.constant 1 : i32
      %dma_start3A_254 = arith.constant 1 : i32
      %dma_start3A_255 = arith.constant 0 : i32
      %dma_start3A_256 = arith.constant 0 : i32
      %dma_start3A_257 = tpu.memref_slice %arg6[%dma_start3A_254, %dma_start3A_255, %dma_start3A_256] : memref<2x800x64xf32, #tpu.memory_space<vmem>> -> memref<1x800x64xf32, #tpu.memory_space<vmem>>
      %dma_start3A_258 = tpu.memref_squeeze %dma_start3A_257 : memref<1x800x64xf32, #tpu.memory_space<vmem>> -> memref<800x64xf32, #tpu.memory_space<vmem>>
      %dma_start3A_259 = arith.constant 0 : i32
      %dma_start3A_260 = tpu.memref_slice %arg5[%dma_start3A_253, %dma_start3A_259] : memref<2x800xi32, #tpu.memory_space<vmem>> -> memref<1x800xi32, #tpu.memory_space<vmem>>
      %dma_start3A_261 = tpu.memref_squeeze %dma_start3A_260 : memref<1x800xi32, #tpu.memory_space<vmem>> -> memref<800xi32, #tpu.memory_space<vmem>>
      %dma_start3A_262 = arith.constant 0 : i32
      %dma_start3A_263 = arith.constant 0 : i32
      %dma_start3A_264 = tpu.memref_slice %arg3[%dma_start3A_262, %dma_start3A_263] : memref<1000000x64xf32, #tpu.memory_space<hbm>> -> memref<1000000x64xf32, #tpu.memory_space<hbm>>
      tpu.enqueue_indirect_dma source(%dma_start3A_264 : memref<1000000x64xf32, #tpu.memory_space<hbm>>) target(%dma_start3A_258 : memref<800x64xf32, #tpu.memory_space<vmem>>) offsets(%dma_start3A_261 : memref<800xi32, #tpu.memory_space<vmem>>) semaphore(%arg8 : memref<!tpu.dma_semaphore, #tpu.memory_space<semaphore_mem>>)
    }
    %scan3A_35 = arith.constant 15 : i32
    %add3A_36 = arith.constant 24000 : i32
    %add3A_37 = arith.addi %mul3A_2, %add3A_36 : i32
    %dma_wait3A = arith.constant 0 : i32
    %dma_wait3A_38 = arith.constant 0 : i32
    %dma_wait3A_39 = arith.constant 0 : i32
    %dma_wait3A_40 = arith.constant 0 : i32
    %dma_wait3A_41 = tpu.memref_slice %arg6[%dma_wait3A_38, %dma_wait3A_39, %dma_wait3A_40] : memref<2x800x64xf32, #tpu.memory_space<vmem>> -> memref<1x800x64xf32, #tpu.memory_space<vmem>>
    %dma_wait3A_42 = tpu.memref_squeeze %dma_wait3A_41 : memref<1x800x64xf32, #tpu.memory_space<vmem>> -> memref<800x64xf32, #tpu.memory_space<vmem>>
    %dma_wait3A_43 = arith.constant 0 : i32
    %dma_wait3A_44 = tpu.memref_slice %arg5[%dma_wait3A, %dma_wait3A_43] : memref<2x800xi32, #tpu.memory_space<vmem>> -> memref<1x800xi32, #tpu.memory_space<vmem>>
    %dma_wait3A_45 = tpu.memref_squeeze %dma_wait3A_44 : memref<1x800xi32, #tpu.memory_space<vmem>> -> memref<800xi32, #tpu.memory_space<vmem>>
    %dma_wait3A_46 = arith.constant 0 : i32
    %dma_wait3A_47 = arith.constant 0 : i32
    %dma_wait3A_48 = tpu.memref_slice %arg3[%dma_wait3A_46, %dma_wait3A_47] : memref<1000000x64xf32, #tpu.memory_space<hbm>> -> memref<1000000x64xf32, #tpu.memory_space<hbm>>
    tpu.wait_indirect_dma semaphore(%arg7 : memref<!tpu.dma_semaphore, #tpu.memory_space<semaphore_mem>>) src(%dma_wait3A_48 : memref<1000000x64xf32, #tpu.memory_space<hbm>>) dst(%dma_wait3A_42 : memref<800x64xf32, #tpu.memory_space<vmem>>)
    %scan3A_49 = arith.constant 0 : i32
    %scan3A_50 = arith.constant 0 : i32
    %scan3A_51 = arith.constant 200 : i32
    %scan3A_52 = arith.addi %scan3A_50, %scan3A_51 : i32
    %scan3A_53 = arith.constant 1 : i32
    scf.for %scan3A_133 = %scan3A_50 to %scan3A_52 step %scan3A_53  : i32 {
      %mul3A_134 = arith.constant 4 : i32
      %mul3A_135 = arith.muli %scan3A_133, %mul3A_134 : i32
      %add3A_136 = arith.constant 0 : i32
      %add3A_137 = arith.addi %mul3A_135, %add3A_136 : i32
      %get3A = arith.constant 0 : i32
      %get3A_138 = arith.index_cast %get3A : i32 to index
      %get3A_139 = arith.index_cast %add3A_137 : i32 to index
      %get3A_140 = arith.constant 0 : index
      %get3A_141 = tpu.vector_load %arg6[%get3A_138, %get3A_139, %get3A_140] {strides = array<i32>} : memref<2x800x64xf32, #tpu.memory_space<vmem>>, vector<1x1x16xf32>,
      %get3A_142 = vector.shape_cast %get3A_141 : vector<1x1x16xf32> to vector<16xf32>
      %mul3A_143 = arith.constant 8.000000e+00 : f32
      %mul3A_144 = vector.broadcast %mul3A_143 : f32 to vector<16xf32>
      %mul3A_145 = arith.mulf %get3A_142, %mul3A_144 : vector<16xf32>
      %swap3A = arith.constant 0 : i32
      %swap3A_146 = arith.index_cast %swap3A : i32 to index
      %swap3A_147 = arith.index_cast %add3A_137 : i32 to index
      %swap3A_148 = arith.constant 0 : index
      %swap3A_149 = tpu.vector_load %arg6[%swap3A_146, %swap3A_147, %swap3A_148] {strides = array<i32>} : memref<2x800x64xf32, #tpu.memory_space<vmem>>, vector<1x1x16xf32>,
      %swap3A_150 = vector.shape_cast %swap3A_149 : vector<1x1x16xf32> to vector<16xf32>
      %swap3A_151 = vector.shape_cast %mul3A_145 : vector<16xf32> to vector<1x1x16xf32>
      tpu.vector_store %arg6[%swap3A_146, %swap3A_147, %swap3A_148], %swap3A_151 {strides = array<i32>} : memref<2x800x64xf32, #tpu.memory_space<vmem>>, vector<1x1x16xf32>,
      %mul3A_152 = arith.constant 4 : i32
      %mul3A_153 = arith.muli %scan3A_133, %mul3A_152 : i32
      %add3A_154 = arith.constant 0 : i32
      %add3A_155 = arith.addi %mul3A_153, %add3A_154 : i32
      %get3A_156 = arith.constant 0 : i32
      %get3A_157 = arith.index_cast %get3A_156 : i32 to index
      %get3A_158 = arith.index_cast %add3A_155 : i32 to index
      %get3A_159 = arith.constant 16 : index
      %get3A_160 = tpu.vector_load %arg6[%get3A_157, %get3A_158, %get3A_159] {strides = array<i32>} : memref<2x800x64xf32, #tpu.memory_space<vmem>>, vector<1x1x16xf32>,
      %get3A_161 = vector.shape_cast %get3A_160 : vector<1x1x16xf32> to vector<16xf32>
      %mul3A_162 = arith.constant 8.000000e+00 : f32
      %mul3A_163 = vector.broadcast %mul3A_162 : f32 to vector<16xf32>
      %mul3A_164 = arith.mulf %get3A_161, %mul3A_163 : vector<16xf32>
      %swap3A_165 = arith.constant 0 : i32
      %swap3A_166 = arith.index_cast %swap3A_165 : i32 to index
      %swap3A_167 = arith.index_cast %add3A_155 : i32 to index
      %swap3A_168 = arith.constant 16 : index
      %swap3A_169 = tpu.vector_load %arg6[%swap3A_166, %swap3A_167, %swap3A_168] {strides = array<i32>} : memref<2x800x64xf32, #tpu.memory_space<vmem>>, vector<1x1x16xf32>,
      %swap3A_170 = vector.shape_cast %swap3A_169 : vector<1x1x16xf32> to vector<16xf32>
      %swap3A_171 = vector.shape_cast %mul3A_164 : vector<16xf32> to vector<1x1x16xf32>
      tpu.vector_store %arg6[%swap3A_166, %swap3A_167, %swap3A_168], %swap3A_171 {strides = array<i32>} : memref<2x800x64xf32, #tpu.memory_space<vmem>>, vector<1x1x16xf32>,
      %mul3A_172 = arith.constant 4 : i32
      %mul3A_173 = arith.muli %scan3A_133, %mul3A_172 : i32
      %add3A_174 = arith.constant 0 : i32
      %add3A_175 = arith.addi %mul3A_173, %add3A_174 : i32
      %get3A_176 = arith.constant 0 : i32
      %get3A_177 = arith.index_cast %get3A_176 : i32 to index
      %get3A_178 = arith.index_cast %add3A_175 : i32 to index
      %get3A_179 = arith.constant 32 : index
      %get3A_180 = tpu.vector_load %arg6[%get3A_177, %get3A_178, %get3A_179] {strides = array<i32>} : memref<2x800x64xf32, #tpu.memory_space<vmem>>, vector<1x1x16xf32>,
      %get3A_181 = vector.shape_cast %get3A_180 : vector<1x1x16xf32> to vector<16xf32>
      %mul3A_182 = arith.constant 8.000000e+00 : f32
      %mul3A_183 = vector.broadcast %mul3A_182 : f32 to vector<16xf32>
      %mul3A_184 = arith.mulf %get3A_181, %mul3A_183 : vector<16xf32>
      %swap3A_185 = arith.constant 0 : i32
      %swap3A_186 = arith.index_cast %swap3A_185 : i32 to index
      %swap3A_187 = arith.index_cast %add3A_175 : i32 to index
      %swap3A_188 = arith.constant 32 : index
      %swap3A_189 = tpu.vector_load %arg6[%swap3A_186, %swap3A_187, %swap3A_188] {strides = array<i32>} : memref<2x800x64xf32, #tpu.memory_space<vmem>>, vector<1x1x16xf32>,
      %swap3A_190 = vector.shape_cast %swap3A_189 : vector<1x1x16xf32> to vector<16xf32>
      %swap3A_191 = vector.shape_cast %mul3A_184 : vector<16xf32> to vector<1x1x16xf32>
      tpu.vector_store %arg6[%swap3A_186, %swap3A_187, %swap3A_188], %swap3A_191 {strides = array<i32>} : memref<2x800x64xf32, #tpu.memory_space<vmem>>, vector<1x1x16xf32>,
      %mul3A_192 = arith.constant 4 : i32
      %mul3A_193 = arith.muli %scan3A_133, %mul3A_192 : i32
      %add3A_194 = arith.constant 0 : i32
      %add3A_195 = arith.addi %mul3A_193, %add3A_194 : i32
      %get3A_196 = arith.constant 0 : i32
      %get3A_197 = arith.index_cast %get3A_196 : i32 to index
      %get3A_198 = arith.index_cast %add3A_195 : i32 to index
      %get3A_199 = arith.constant 48 : index
      %get3A_200 = tpu.vector_load %arg6[%get3A_197, %get3A_198, %get3A_199] {strides = array<i32>} : memref<2x800x64xf32, #tpu.memory_space<vmem>>, vector<1x1x16xf32>,
      %get3A_201 = vector.shape_cast %get3A_200 : vector<1x1x16xf32> to vector<16xf32>
      %mul3A_202 = arith.constant 8.000000e+00 : f32
      %mul3A_203 = vector.broadcast %mul3A_202 : f32 to vector<16xf32>
      %mul3A_204 = arith.mulf %get3A_201, %mul3A_203 : vector<16xf32>
      %swap3A_205 = arith.constant 0 : i32
      %swap3A_206 = arith.index_cast %swap3A_205 : i32 to index
      %swap3A_207 = arith.index_cast %add3A_195 : i32 to index
      %swap3A_208 = arith.constant 48 : index
      %swap3A_209 = tpu.vector_load %arg6[%swap3A_206, %swap3A_207, %swap3A_208] {strides = array<i32>} : memref<2x800x64xf32, #tpu.memory_space<vmem>>, vector<1x1x16xf32>,
      %swap3A_210 = vector.shape_cast %swap3A_209 : vector<1x1x16xf32> to vector<16xf32>
      %swap3A_211 = vector.shape_cast %mul3A_204 : vector<16xf32> to vector<1x1x16xf32>
      tpu.vector_store %arg6[%swap3A_206, %swap3A_207, %swap3A_208], %swap3A_211 {strides = array<i32>} : memref<2x800x64xf32, #tpu.memory_space<vmem>>, vector<1x1x16xf32>,
      %mul3A_212 = arith.constant 4 : i32
      %mul3A_213 = arith.muli %scan3A_133, %mul3A_212 : i32
      %add3A_214 = arith.constant 1 : i32
      %add3A_215 = arith.addi %mul3A_213, %add3A_214 : i32
      %get3A_216 = arith.constant 0 : i32
      %get3A_217 = arith.index_cast %get3A_216 : i32 to index
      %get3A_218 = arith.index_cast %add3A_215 : i32 to index
      %get3A_219 = arith.constant 0 : index
      %get3A_220 = tpu.vector_load %arg6[%get3A_217, %get3A_218, %get3A_219] {strides = array<i32>} : memref<2x800x64xf32, #tpu.memory_space<vmem>>, vector<1x1x16xf32>,
      %get3A_221 = vector.shape_cast %get3A_220 : vector<1x1x16xf32> to vector<16xf32>
      %mul3A_222 = arith.constant 8.000000e+00 : f32
      %mul3A_223 = vector.broadcast %mul3A_222 : f32 to vector<16xf32>
      %mul3A_224 = arith.mulf %get3A_221, %mul3A_223 : vector<16xf32>
      %swap3A_225 = arith.constant 0 : i32
      %swap3A_226 = arith.index_cast %swap3A_225 : i32 to index
      %swap3A_227 = arith.index_cast %add3A_215 : i32 to index
      %swap3A_228 = arith.constant 0 : index
      %swap3A_229 = tpu.vector_load %arg6[%swap3A_226, %swap3A_227, %swap3A_228] {strides = array<i32>} : memref<2x800x64xf32, #tpu.memory_space<vmem>>, vector<1x1x16xf32>,
      %swap3A_230 = vector.shape_cast %swap3A_229 : vector<1x1x16xf32> to vector<16xf32>
      %swap3A_231 = vector.shape_cast %mul3A_224 : vector<16xf32> to vector<1x1x16xf32>
      tpu.vector_store %arg6[%swap3A_226, %swap3A_227, %swap3A_228], %swap3A_231 {strides = array<i32>} : memref<2x800x64xf32, #tpu.memory_space<vmem>>, vector<1x1x16xf32>,
      %mul3A_232 = arith.constant 4 : i32
      %mul3A_233 = arith.muli %scan3A_133, %mul3A_232 : i32
      %add3A_234 = arith.constant 1 : i32
      %add3A_235 = arith.addi %mul3A_233, %add3A_234 : i32
      %get3A_236 = arith.constant 0 : i32
      %get3A_237 = arith.index_cast %get3A_236 : i32 to index
      %get3A_238 = arith.index_cast %add3A_235 : i32 to index
      %get3A_239 = arith.constant 16 : index
      %get3A_240 = tpu.vector_load %arg6[%get3A_237, %get3A_238, %get3A_239] {strides = array<i32>} : memref<2x800x64xf32, #tpu.memory_space<vmem>>, vector<1x1x16xf32>,
      %get3A_241 = vector.shape_cast %get3A_240 : vector<1x1x16xf32> to vector<16xf32>
      %mul3A_242 = arith.constant 8.000000e+00 : f32
      %mul3A_243 = vector.broadcast %mul3A_242 : f32 to vector<16xf32>
      %mul3A_244 = arith.mulf %get3A_241, %mul3A_243 : vector<16xf32>
      %swap3A_245 = arith.constant 0 : i32
      %swap3A_246 = arith.index_cast %swap3A_245 : i32 to index
      %swap3A_247 = arith.index_cast %add3A_235 : i32 to index
      %swap3A_248 = arith.constant 16 : index
      %swap3A_249 = tpu.vector_load %arg6[%swap3A_246, %swap3A_247, %swap3A_248] {strides = array<i32>} : memref<2x800x64xf32, #tpu.memory_space<vmem>>, vector<1x1x16xf32>,
      %swap3A_250 = vector.shape_cast %swap3A_249 : vector<1x1x16xf32> to vector<16xf32>
      %swap3A_251 = vector.shape_cast %mul3A_244 : vector<16xf32> to vector<1x1x16xf32>
      tpu.vector_store %arg6[%swap3A_246, %swap3A_247, %swap3A_248], %swap3A_251 {strides = array<i32>} : memref<2x800x64xf32, #tpu.memory_space<vmem>>, vector<1x1x16xf32>,
      %mul3A_252 = arith.constant 4 : i32
      %mul3A_253 = arith.muli %scan3A_133, %mul3A_252 : i32
      %add3A_254 = arith.constant 1 : i32
      %add3A_255 = arith.addi %mul3A_253, %add3A_254 : i32
      %get3A_256 = arith.constant 0 : i32
      %get3A_257 = arith.index_cast %get3A_256 : i32 to index
      %get3A_258 = arith.index_cast %add3A_255 : i32 to index
      %get3A_259 = arith.constant 32 : index
      %get3A_260 = tpu.vector_load %arg6[%get3A_257, %get3A_258, %get3A_259] {strides = array<i32>} : memref<2x800x64xf32, #tpu.memory_space<vmem>>, vector<1x1x16xf32>,
      %get3A_261 = vector.shape_cast %get3A_260 : vector<1x1x16xf32> to vector<16xf32>
      %mul3A_262 = arith.constant 8.000000e+00 : f32
      %mul3A_263 = vector.broadcast %mul3A_262 : f32 to vector<16xf32>
      %mul3A_264 = arith.mulf %get3A_261, %mul3A_263 : vector<16xf32>
      %swap3A_265 = arith.constant 0 : i32
      %swap3A_266 = arith.index_cast %swap3A_265 : i32 to index
      %swap3A_267 = arith.index_cast %add3A_255 : i32 to index
      %swap3A_268 = arith.constant 32 : index
      %swap3A_269 = tpu.vector_load %arg6[%swap3A_266, %swap3A_267, %swap3A_268] {strides = array<i32>} : memref<2x800x64xf32, #tpu.memory_space<vmem>>, vector<1x1x16xf32>,
      %swap3A_270 = vector.shape_cast %swap3A_269 : vector<1x1x16xf32> to vector<16xf32>
      %swap3A_271 = vector.shape_cast %mul3A_264 : vector<16xf32> to vector<1x1x16xf32>
      tpu.vector_store %arg6[%swap3A_266, %swap3A_267, %swap3A_268], %swap3A_271 {strides = array<i32>} : memref<2x800x64xf32, #tpu.memory_space<vmem>>, vector<1x1x16xf32>,
      %mul3A_272 = arith.constant 4 : i32
      %mul3A_273 = arith.muli %scan3A_133, %mul3A_272 : i32
      %add3A_274 = arith.constant 1 : i32
      %add3A_275 = arith.addi %mul3A_273, %add3A_274 : i32
      %get3A_276 = arith.constant 0 : i32
      %get3A_277 = arith.index_cast %get3A_276 : i32 to index
      %get3A_278 = arith.index_cast %add3A_275 : i32 to index
      %get3A_279 = arith.constant 48 : index
      %get3A_280 = tpu.vector_load %arg6[%get3A_277, %get3A_278, %get3A_279] {strides = array<i32>} : memref<2x800x64xf32, #tpu.memory_space<vmem>>, vector<1x1x16xf32>,
      %get3A_281 = vector.shape_cast %get3A_280 : vector<1x1x16xf32> to vector<16xf32>
      %mul3A_282 = arith.constant 8.000000e+00 : f32
      %mul3A_283 = vector.broadcast %mul3A_282 : f32 to vector<16xf32>
      %mul3A_284 = arith.mulf %get3A_281, %mul3A_283 : vector<16xf32>
      %swap3A_285 = arith.constant 0 : i32
      %swap3A_286 = arith.index_cast %swap3A_285 : i32 to index
      %swap3A_287 = arith.index_cast %add3A_275 : i32 to index
      %swap3A_288 = arith.constant 48 : index
      %swap3A_289 = tpu.vector_load %arg6[%swap3A_286, %swap3A_287, %swap3A_288] {strides = array<i32>} : memref<2x800x64xf32, #tpu.memory_space<vmem>>, vector<1x1x16xf32>,
      %swap3A_290 = vector.shape_cast %swap3A_289 : vector<1x1x16xf32> to vector<16xf32>
      %swap3A_291 = vector.shape_cast %mul3A_284 : vector<16xf32> to vector<1x1x16xf32>
      tpu.vector_store %arg6[%swap3A_286, %swap3A_287, %swap3A_288], %swap3A_291 {strides = array<i32>} : memref<2x800x64xf32, #tpu.memory_space<vmem>>, vector<1x1x16xf32>,
      %mul3A_292 = arith.constant 4 : i32
      %mul3A_293 = arith.muli %scan3A_133, %mul3A_292 : i32
      %add3A_294 = arith.constant 2 : i32
      %add3A_295 = arith.addi %mul3A_293, %add3A_294 : i32
      %get3A_296 = arith.constant 0 : i32
      %get3A_297 = arith.index_cast %get3A_296 : i32 to index
      %get3A_298 = arith.index_cast %add3A_295 : i32 to index
      %get3A_299 = arith.constant 0 : index
      %get3A_300 = tpu.vector_load %arg6[%get3A_297, %get3A_298, %get3A_299] {strides = array<i32>} : memref<2x800x64xf32, #tpu.memory_space<vmem>>, vector<1x1x16xf32>,
      %get3A_301 = vector.shape_cast %get3A_300 : vector<1x1x16xf32> to vector<16xf32>
      %mul3A_302 = arith.constant 8.000000e+00 : f32
      %mul3A_303 = vector.broadcast %mul3A_302 : f32 to vector<16xf32>
      %mul3A_304 = arith.mulf %get3A_301, %mul3A_303 : vector<16xf32>
      %swap3A_305 = arith.constant 0 : i32
      %swap3A_306 = arith.index_cast %swap3A_305 : i32 to index
      %swap3A_307 = arith.index_cast %add3A_295 : i32 to index
      %swap3A_308 = arith.constant 0 : index
      %swap3A_309 = tpu.vector_load %arg6[%swap3A_306, %swap3A_307, %swap3A_308] {strides = array<i32>} : memref<2x800x64xf32, #tpu.memory_space<vmem>>, vector<1x1x16xf32>,
      %swap3A_310 = vector.shape_cast %swap3A_309 : vector<1x1x16xf32> to vector<16xf32>
      %swap3A_311 = vector.shape_cast %mul3A_304 : vector<16xf32> to vector<1x1x16xf32>
      tpu.vector_store %arg6[%swap3A_306, %swap3A_307, %swap3A_308], %swap3A_311 {strides = array<i32>} : memref<2x800x64xf32, #tpu.memory_space<vmem>>, vector<1x1x16xf32>,
      %mul3A_312 = arith.constant 4 : i32
      %mul3A_313 = arith.muli %scan3A_133, %mul3A_312 : i32
      %add3A_314 = arith.constant 2 : i32
      %add3A_315 = arith.addi %mul3A_313, %add3A_314 : i32
      %get3A_316 = arith.constant 0 : i32
      %get3A_317 = arith.index_cast %get3A_316 : i32 to index
      %get3A_318 = arith.index_cast %add3A_315 : i32 to index
      %get3A_319 = arith.constant 16 : index
      %get3A_320 = tpu.vector_load %arg6[%get3A_317, %get3A_318, %get3A_319] {strides = array<i32>} : memref<2x800x64xf32, #tpu.memory_space<vmem>>, vector<1x1x16xf32>,
      %get3A_321 = vector.shape_cast %get3A_320 : vector<1x1x16xf32> to vector<16xf32>
      %mul3A_322 = arith.constant 8.000000e+00 : f32
      %mul3A_323 = vector.broadcast %mul3A_322 : f32 to vector<16xf32>
      %mul3A_324 = arith.mulf %get3A_321, %mul3A_323 : vector<16xf32>
      %swap3A_325 = arith.constant 0 : i32
      %swap3A_326 = arith.index_cast %swap3A_325 : i32 to index
      %swap3A_327 = arith.index_cast %add3A_315 : i32 to index
      %swap3A_328 = arith.constant 16 : index
      %swap3A_329 = tpu.vector_load %arg6[%swap3A_326, %swap3A_327, %swap3A_328] {strides = array<i32>} : memref<2x800x64xf32, #tpu.memory_space<vmem>>, vector<1x1x16xf32>,
      %swap3A_330 = vector.shape_cast %swap3A_329 : vector<1x1x16xf32> to vector<16xf32>
      %swap3A_331 = vector.shape_cast %mul3A_324 : vector<16xf32> to vector<1x1x16xf32>
      tpu.vector_store %arg6[%swap3A_326, %swap3A_327, %swap3A_328], %swap3A_331 {strides = array<i32>} : memref<2x800x64xf32, #tpu.memory_space<vmem>>, vector<1x1x16xf32>,
      %mul3A_332 = arith.constant 4 : i32
      %mul3A_333 = arith.muli %scan3A_133, %mul3A_332 : i32
      %add3A_334 = arith.constant 2 : i32
      %add3A_335 = arith.addi %mul3A_333, %add3A_334 : i32
      %get3A_336 = arith.constant 0 : i32
      %get3A_337 = arith.index_cast %get3A_336 : i32 to index
      %get3A_338 = arith.index_cast %add3A_335 : i32 to index
      %get3A_339 = arith.constant 32 : index
      %get3A_340 = tpu.vector_load %arg6[%get3A_337, %get3A_338, %get3A_339] {strides = array<i32>} : memref<2x800x64xf32, #tpu.memory_space<vmem>>, vector<1x1x16xf32>,
      %get3A_341 = vector.shape_cast %get3A_340 : vector<1x1x16xf32> to vector<16xf32>
      %mul3A_342 = arith.constant 8.000000e+00 : f32
      %mul3A_343 = vector.broadcast %mul3A_342 : f32 to vector<16xf32>
      %mul3A_344 = arith.mulf %get3A_341, %mul3A_343 : vector<16xf32>
      %swap3A_345 = arith.constant 0 : i32
      %swap3A_346 = arith.index_cast %swap3A_345 : i32 to index
      %swap3A_347 = arith.index_cast %add3A_335 : i32 to index
      %swap3A_348 = arith.constant 32 : index
      %swap3A_349 = tpu.vector_load %arg6[%swap3A_346, %swap3A_347, %swap3A_348] {strides = array<i32>} : memref<2x800x64xf32, #tpu.memory_space<vmem>>, vector<1x1x16xf32>,
      %swap3A_350 = vector.shape_cast %swap3A_349 : vector<1x1x16xf32> to vector<16xf32>
      %swap3A_351 = vector.shape_cast %mul3A_344 : vector<16xf32> to vector<1x1x16xf32>
      tpu.vector_store %arg6[%swap3A_346, %swap3A_347, %swap3A_348], %swap3A_351 {strides = array<i32>} : memref<2x800x64xf32, #tpu.memory_space<vmem>>, vector<1x1x16xf32>,
      %mul3A_352 = arith.constant 4 : i32
      %mul3A_353 = arith.muli %scan3A_133, %mul3A_352 : i32
      %add3A_354 = arith.constant 2 : i32
      %add3A_355 = arith.addi %mul3A_353, %add3A_354 : i32
      %get3A_356 = arith.constant 0 : i32
      %get3A_357 = arith.index_cast %get3A_356 : i32 to index
      %get3A_358 = arith.index_cast %add3A_355 : i32 to index
      %get3A_359 = arith.constant 48 : index
      %get3A_360 = tpu.vector_load %arg6[%get3A_357, %get3A_358, %get3A_359] {strides = array<i32>} : memref<2x800x64xf32, #tpu.memory_space<vmem>>, vector<1x1x16xf32>,
      %get3A_361 = vector.shape_cast %get3A_360 : vector<1x1x16xf32> to vector<16xf32>
      %mul3A_362 = arith.constant 8.000000e+00 : f32
      %mul3A_363 = vector.broadcast %mul3A_362 : f32 to vector<16xf32>
      %mul3A_364 = arith.mulf %get3A_361, %mul3A_363 : vector<16xf32>
      %swap3A_365 = arith.constant 0 : i32
      %swap3A_366 = arith.index_cast %swap3A_365 : i32 to index
      %swap3A_367 = arith.index_cast %add3A_355 : i32 to index
      %swap3A_368 = arith.constant 48 : index
      %swap3A_369 = tpu.vector_load %arg6[%swap3A_366, %swap3A_367, %swap3A_368] {strides = array<i32>} : memref<2x800x64xf32, #tpu.memory_space<vmem>>, vector<1x1x16xf32>,
      %swap3A_370 = vector.shape_cast %swap3A_369 : vector<1x1x16xf32> to vector<16xf32>
      %swap3A_371 = vector.shape_cast %mul3A_364 : vector<16xf32> to vector<1x1x16xf32>
      tpu.vector_store %arg6[%swap3A_366, %swap3A_367, %swap3A_368], %swap3A_371 {strides = array<i32>} : memref<2x800x64xf32, #tpu.memory_space<vmem>>, vector<1x1x16xf32>,
      %mul3A_372 = arith.constant 4 : i32
      %mul3A_373 = arith.muli %scan3A_133, %mul3A_372 : i32
      %add3A_374 = arith.constant 3 : i32
      %add3A_375 = arith.addi %mul3A_373, %add3A_374 : i32
      %get3A_376 = arith.constant 0 : i32
      %get3A_377 = arith.index_cast %get3A_376 : i32 to index
      %get3A_378 = arith.index_cast %add3A_375 : i32 to index
      %get3A_379 = arith.constant 0 : index
      %get3A_380 = tpu.vector_load %arg6[%get3A_377, %get3A_378, %get3A_379] {strides = array<i32>} : memref<2x800x64xf32, #tpu.memory_space<vmem>>, vector<1x1x16xf32>,
      %get3A_381 = vector.shape_cast %get3A_380 : vector<1x1x16xf32> to vector<16xf32>
      %mul3A_382 = arith.constant 8.000000e+00 : f32
      %mul3A_383 = vector.broadcast %mul3A_382 : f32 to vector<16xf32>
      %mul3A_384 = arith.mulf %get3A_381, %mul3A_383 : vector<16xf32>
      %swap3A_385 = arith.constant 0 : i32
      %swap3A_386 = arith.index_cast %swap3A_385 : i32 to index
      %swap3A_387 = arith.index_cast %add3A_375 : i32 to index
      %swap3A_388 = arith.constant 0 : index
      %swap3A_389 = tpu.vector_load %arg6[%swap3A_386, %swap3A_387, %swap3A_388] {strides = array<i32>} : memref<2x800x64xf32, #tpu.memory_space<vmem>>, vector<1x1x16xf32>,
      %swap3A_390 = vector.shape_cast %swap3A_389 : vector<1x1x16xf32> to vector<16xf32>
      %swap3A_391 = vector.shape_cast %mul3A_384 : vector<16xf32> to vector<1x1x16xf32>
      tpu.vector_store %arg6[%swap3A_386, %swap3A_387, %swap3A_388], %swap3A_391 {strides = array<i32>} : memref<2x800x64xf32, #tpu.memory_space<vmem>>, vector<1x1x16xf32>,
      %mul3A_392 = arith.constant 4 : i32
      %mul3A_393 = arith.muli %scan3A_133, %mul3A_392 : i32
      %add3A_394 = arith.constant 3 : i32
      %add3A_395 = arith.addi %mul3A_393, %add3A_394 : i32
      %get3A_396 = arith.constant 0 : i32
      %get3A_397 = arith.index_cast %get3A_396 : i32 to index
      %get3A_398 = arith.index_cast %add3A_395 : i32 to index
      %get3A_399 = arith.constant 16 : index
      %get3A_400 = tpu.vector_load %arg6[%get3A_397, %get3A_398, %get3A_399] {strides = array<i32>} : memref<2x800x64xf32, #tpu.memory_space<vmem>>, vector<1x1x16xf32>,
      %get3A_401 = vector.shape_cast %get3A_400 : vector<1x1x16xf32> to vector<16xf32>
      %mul3A_402 = arith.constant 8.000000e+00 : f32
      %mul3A_403 = vector.broadcast %mul3A_402 : f32 to vector<16xf32>
      %mul3A_404 = arith.mulf %get3A_401, %mul3A_403 : vector<16xf32>
      %swap3A_405 = arith.constant 0 : i32
      %swap3A_406 = arith.index_cast %swap3A_405 : i32 to index
      %swap3A_407 = arith.index_cast %add3A_395 : i32 to index
      %swap3A_408 = arith.constant 16 : index
      %swap3A_409 = tpu.vector_load %arg6[%swap3A_406, %swap3A_407, %swap3A_408] {strides = array<i32>} : memref<2x800x64xf32, #tpu.memory_space<vmem>>, vector<1x1x16xf32>,
      %swap3A_410 = vector.shape_cast %swap3A_409 : vector<1x1x16xf32> to vector<16xf32>
      %swap3A_411 = vector.shape_cast %mul3A_404 : vector<16xf32> to vector<1x1x16xf32>
      tpu.vector_store %arg6[%swap3A_406, %swap3A_407, %swap3A_408], %swap3A_411 {strides = array<i32>} : memref<2x800x64xf32, #tpu.memory_space<vmem>>, vector<1x1x16xf32>,
      %mul3A_412 = arith.constant 4 : i32
      %mul3A_413 = arith.muli %scan3A_133, %mul3A_412 : i32
      %add3A_414 = arith.constant 3 : i32
      %add3A_415 = arith.addi %mul3A_413, %add3A_414 : i32
      %get3A_416 = arith.constant 0 : i32
      %get3A_417 = arith.index_cast %get3A_416 : i32 to index
      %get3A_418 = arith.index_cast %add3A_415 : i32 to index
      %get3A_419 = arith.constant 32 : index
      %get3A_420 = tpu.vector_load %arg6[%get3A_417, %get3A_418, %get3A_419] {strides = array<i32>} : memref<2x800x64xf32, #tpu.memory_space<vmem>>, vector<1x1x16xf32>,
      %get3A_421 = vector.shape_cast %get3A_420 : vector<1x1x16xf32> to vector<16xf32>
      %mul3A_422 = arith.constant 8.000000e+00 : f32
      %mul3A_423 = vector.broadcast %mul3A_422 : f32 to vector<16xf32>
      %mul3A_424 = arith.mulf %get3A_421, %mul3A_423 : vector<16xf32>
      %swap3A_425 = arith.constant 0 : i32
      %swap3A_426 = arith.index_cast %swap3A_425 : i32 to index
      %swap3A_427 = arith.index_cast %add3A_415 : i32 to index
      %swap3A_428 = arith.constant 32 : index
      %swap3A_429 = tpu.vector_load %arg6[%swap3A_426, %swap3A_427, %swap3A_428] {strides = array<i32>} : memref<2x800x64xf32, #tpu.memory_space<vmem>>, vector<1x1x16xf32>,
      %swap3A_430 = vector.shape_cast %swap3A_429 : vector<1x1x16xf32> to vector<16xf32>
      %swap3A_431 = vector.shape_cast %mul3A_424 : vector<16xf32> to vector<1x1x16xf32>
      tpu.vector_store %arg6[%swap3A_426, %swap3A_427, %swap3A_428], %swap3A_431 {strides = array<i32>} : memref<2x800x64xf32, #tpu.memory_space<vmem>>, vector<1x1x16xf32>,
      %mul3A_432 = arith.constant 4 : i32
      %mul3A_433 = arith.muli %scan3A_133, %mul3A_432 : i32
      %add3A_434 = arith.constant 3 : i32
      %add3A_435 = arith.addi %mul3A_433, %add3A_434 : i32
      %get3A_436 = arith.constant 0 : i32
      %get3A_437 = arith.index_cast %get3A_436 : i32 to index
      %get3A_438 = arith.index_cast %add3A_435 : i32 to index
      %get3A_439 = arith.constant 48 : index
      %get3A_440 = tpu.vector_load %arg6[%get3A_437, %get3A_438, %get3A_439] {strides = array<i32>} : memref<2x800x64xf32, #tpu.memory_space<vmem>>, vector<1x1x16xf32>,
      %get3A_441 = vector.shape_cast %get3A_440 : vector<1x1x16xf32> to vector<16xf32>
      %mul3A_442 = arith.constant 8.000000e+00 : f32
      %mul3A_443 = vector.broadcast %mul3A_442 : f32 to vector<16xf32>
      %mul3A_444 = arith.mulf %get3A_441, %mul3A_443 : vector<16xf32>
      %swap3A_445 = arith.constant 0 : i32
      %swap3A_446 = arith.index_cast %swap3A_445 : i32 to index
      %swap3A_447 = arith.index_cast %add3A_435 : i32 to index
      %swap3A_448 = arith.constant 48 : index
      %swap3A_449 = tpu.vector_load %arg6[%swap3A_446, %swap3A_447, %swap3A_448] {strides = array<i32>} : memref<2x800x64xf32, #tpu.memory_space<vmem>>, vector<1x1x16xf32>,
      %swap3A_450 = vector.shape_cast %swap3A_449 : vector<1x1x16xf32> to vector<16xf32>
      %swap3A_451 = vector.shape_cast %mul3A_444 : vector<16xf32> to vector<1x1x16xf32>
      tpu.vector_store %arg6[%swap3A_446, %swap3A_447, %swap3A_448], %swap3A_451 {strides = array<i32>} : memref<2x800x64xf32, #tpu.memory_space<vmem>>, vector<1x1x16xf32>,
    }
    %scan3A_54 = arith.constant 200 : i32
    %add3A_55 = arith.constant 0 : i32
    %add3A_56 = arith.addi %add3A_37, %add3A_55 : i32
    %dma_start3A_57 = arith.constant 0 : i32
    %dma_start3A_58 = arith.constant 0 : i32
    %dma_start3A_59 = arith.constant 0 : i32
    %dma_start3A_60 = tpu.memref_slice %arg6[%dma_start3A_57, %dma_start3A_58, %dma_start3A_59] : memref<2x800x64xf32, #tpu.memory_space<vmem>> -> memref<1x800x64xf32, #tpu.memory_space<vmem>>
    %dma_start3A_61 = tpu.memref_squeeze %dma_start3A_60 : memref<1x800x64xf32, #tpu.memory_space<vmem>> -> memref<800x64xf32, #tpu.memory_space<vmem>>
    %dma_start3A_62 = arith.constant 0 : i32
    %dma_start3A_63 = tpu.memref_slice %arg4[%add3A_56, %dma_start3A_62] : memref<819200x64xf32, #tpu.memory_space<hbm>> -> memref<800x64xf32, #tpu.memory_space<hbm>>
    %dma_start3A_64 = arith.constant 0 : i32
    %dma_start3A_65 = tpu.memref_slice %arg4[%add3A_56, %dma_start3A_64] : memref<819200x64xf32, #tpu.memory_space<hbm>> -> memref<800x64xf32, #tpu.memory_space<hbm>>
    %dma_start3A_66 = arith.constant 0 : i32
    %dma_start3A_67 = arith.constant 0 : i32
    %dma_start3A_68 = tpu.memref_slice %arg6[%dma_start3A_57, %dma_start3A_66, %dma_start3A_67] : memref<2x800x64xf32, #tpu.memory_space<vmem>> -> memref<1x800x64xf32, #tpu.memory_space<vmem>>
    %dma_start3A_69 = tpu.memref_squeeze %dma_start3A_68 : memref<1x800x64xf32, #tpu.memory_space<vmem>> -> memref<800x64xf32, #tpu.memory_space<vmem>>
    tpu.enqueue_dma source(%dma_start3A_69 : memref<800x64xf32, #tpu.memory_space<vmem>>) target(%dma_start3A_65 : memref<800x64xf32, #tpu.memory_space<hbm>>) target_semaphore(%arg9 : memref<!tpu.dma_semaphore, #tpu.memory_space<semaphore_mem>>)
    %dma_wait3A_70 = arith.constant 1 : i32
    %dma_wait3A_71 = arith.constant 1 : i32
    %dma_wait3A_72 = arith.constant 0 : i32
    %dma_wait3A_73 = arith.constant 0 : i32
    %dma_wait3A_74 = tpu.memref_slice %arg6[%dma_wait3A_71, %dma_wait3A_72, %dma_wait3A_73] : memref<2x800x64xf32, #tpu.memory_space<vmem>> -> memref<1x800x64xf32, #tpu.memory_space<vmem>>
    %dma_wait3A_75 = tpu.memref_squeeze %dma_wait3A_74 : memref<1x800x64xf32, #tpu.memory_space<vmem>> -> memref<800x64xf32, #tpu.memory_space<vmem>>
    %dma_wait3A_76 = arith.constant 0 : i32
    %dma_wait3A_77 = tpu.memref_slice %arg5[%dma_wait3A_70, %dma_wait3A_76] : memref<2x800xi32, #tpu.memory_space<vmem>> -> memref<1x800xi32, #tpu.memory_space<vmem>>
    %dma_wait3A_78 = tpu.memref_squeeze %dma_wait3A_77 : memref<1x800xi32, #tpu.memory_space<vmem>> -> memref<800xi32, #tpu.memory_space<vmem>>
    %dma_wait3A_79 = arith.constant 0 : i32
    %dma_wait3A_80 = arith.constant 0 : i32
    %dma_wait3A_81 = tpu.memref_slice %arg3[%dma_wait3A_79, %dma_wait3A_80] : memref<1000000x64xf32, #tpu.memory_space<hbm>> -> memref<1000000x64xf32, #tpu.memory_space<hbm>>
    tpu.wait_indirect_dma semaphore(%arg8 : memref<!tpu.dma_semaphore, #tpu.memory_space<semaphore_mem>>) src(%dma_wait3A_81 : memref<1000000x64xf32, #tpu.memory_space<hbm>>) dst(%dma_wait3A_75 : memref<800x64xf32, #tpu.memory_space<vmem>>)
    %scan3A_82 = arith.constant 0 : i32
    %scan3A_83 = arith.constant 0 : i32
    %scan3A_84 = arith.constant 200 : i32
    %scan3A_85 = arith.addi %scan3A_83, %scan3A_84 : i32
    %scan3A_86 = arith.constant 1 : i32
    scf.for %scan3A_133 = %scan3A_83 to %scan3A_85 step %scan3A_86  : i32 {
      %mul3A_134 = arith.constant 4 : i32
      %mul3A_135 = arith.muli %scan3A_133, %mul3A_134 : i32
      %add3A_136 = arith.constant 0 : i32
      %add3A_137 = arith.addi %mul3A_135, %add3A_136 : i32
      %get3A = arith.constant 1 : i32
      %get3A_138 = arith.index_cast %get3A : i32 to index
      %get3A_139 = arith.index_cast %add3A_137 : i32 to index
      %get3A_140 = arith.constant 0 : index
      %get3A_141 = tpu.vector_load %arg6[%get3A_138, %get3A_139, %get3A_140] {strides = array<i32>} : memref<2x800x64xf32, #tpu.memory_space<vmem>>, vector<1x1x16xf32>,
      %get3A_142 = vector.shape_cast %get3A_141 : vector<1x1x16xf32> to vector<16xf32>
      %mul3A_143 = arith.constant 8.000000e+00 : f32
      %mul3A_144 = vector.broadcast %mul3A_143 : f32 to vector<16xf32>
      %mul3A_145 = arith.mulf %get3A_142, %mul3A_144 : vector<16xf32>
      %swap3A = arith.constant 1 : i32
      %swap3A_146 = arith.index_cast %swap3A : i32 to index
      %swap3A_147 = arith.index_cast %add3A_137 : i32 to index
      %swap3A_148 = arith.constant 0 : index
      %swap3A_149 = tpu.vector_load %arg6[%swap3A_146, %swap3A_147, %swap3A_148] {strides = array<i32>} : memref<2x800x64xf32, #tpu.memory_space<vmem>>, vector<1x1x16xf32>,
      %swap3A_150 = vector.shape_cast %swap3A_149 : vector<1x1x16xf32> to vector<16xf32>
      %swap3A_151 = vector.shape_cast %mul3A_145 : vector<16xf32> to vector<1x1x16xf32>
      tpu.vector_store %arg6[%swap3A_146, %swap3A_147, %swap3A_148], %swap3A_151 {strides = array<i32>} : memref<2x800x64xf32, #tpu.memory_space<vmem>>, vector<1x1x16xf32>,
      %mul3A_152 = arith.constant 4 : i32
      %mul3A_153 = arith.muli %scan3A_133, %mul3A_152 : i32
      %add3A_154 = arith.constant 0 : i32
      %add3A_155 = arith.addi %mul3A_153, %add3A_154 : i32
      %get3A_156 = arith.constant 1 : i32
      %get3A_157 = arith.index_cast %get3A_156 : i32 to index
      %get3A_158 = arith.index_cast %add3A_155 : i32 to index
      %get3A_159 = arith.constant 16 : index
      %get3A_160 = tpu.vector_load %arg6[%get3A_157, %get3A_158, %get3A_159] {strides = array<i32>} : memref<2x800x64xf32, #tpu.memory_space<vmem>>, vector<1x1x16xf32>,
      %get3A_161 = vector.shape_cast %get3A_160 : vector<1x1x16xf32> to vector<16xf32>
      %mul3A_162 = arith.constant 8.000000e+00 : f32
      %mul3A_163 = vector.broadcast %mul3A_162 : f32 to vector<16xf32>
      %mul3A_164 = arith.mulf %get3A_161, %mul3A_163 : vector<16xf32>
      %swap3A_165 = arith.constant 1 : i32
      %swap3A_166 = arith.index_cast %swap3A_165 : i32 to index
      %swap3A_167 = arith.index_cast %add3A_155 : i32 to index
      %swap3A_168 = arith.constant 16 : index
      %swap3A_169 = tpu.vector_load %arg6[%swap3A_166, %swap3A_167, %swap3A_168] {strides = array<i32>} : memref<2x800x64xf32, #tpu.memory_space<vmem>>, vector<1x1x16xf32>,
      %swap3A_170 = vector.shape_cast %swap3A_169 : vector<1x1x16xf32> to vector<16xf32>
      %swap3A_171 = vector.shape_cast %mul3A_164 : vector<16xf32> to vector<1x1x16xf32>
      tpu.vector_store %arg6[%swap3A_166, %swap3A_167, %swap3A_168], %swap3A_171 {strides = array<i32>} : memref<2x800x64xf32, #tpu.memory_space<vmem>>, vector<1x1x16xf32>,
      %mul3A_172 = arith.constant 4 : i32
      %mul3A_173 = arith.muli %scan3A_133, %mul3A_172 : i32
      %add3A_174 = arith.constant 0 : i32
      %add3A_175 = arith.addi %mul3A_173, %add3A_174 : i32
      %get3A_176 = arith.constant 1 : i32
      %get3A_177 = arith.index_cast %get3A_176 : i32 to index
      %get3A_178 = arith.index_cast %add3A_175 : i32 to index
      %get3A_179 = arith.constant 32 : index
      %get3A_180 = tpu.vector_load %arg6[%get3A_177, %get3A_178, %get3A_179] {strides = array<i32>} : memref<2x800x64xf32, #tpu.memory_space<vmem>>, vector<1x1x16xf32>,
      %get3A_181 = vector.shape_cast %get3A_180 : vector<1x1x16xf32> to vector<16xf32>
      %mul3A_182 = arith.constant 8.000000e+00 : f32
      %mul3A_183 = vector.broadcast %mul3A_182 : f32 to vector<16xf32>
      %mul3A_184 = arith.mulf %get3A_181, %mul3A_183 : vector<16xf32>
      %swap3A_185 = arith.constant 1 : i32
      %swap3A_186 = arith.index_cast %swap3A_185 : i32 to index
      %swap3A_187 = arith.index_cast %add3A_175 : i32 to index
      %swap3A_188 = arith.constant 32 : index
      %swap3A_189 = tpu.vector_load %arg6[%swap3A_186, %swap3A_187, %swap3A_188] {strides = array<i32>} : memref<2x800x64xf32, #tpu.memory_space<vmem>>, vector<1x1x16xf32>,
      %swap3A_190 = vector.shape_cast %swap3A_189 : vector<1x1x16xf32> to vector<16xf32>
      %swap3A_191 = vector.shape_cast %mul3A_184 : vector<16xf32> to vector<1x1x16xf32>
      tpu.vector_store %arg6[%swap3A_186, %swap3A_187, %swap3A_188], %swap3A_191 {strides = array<i32>} : memref<2x800x64xf32, #tpu.memory_space<vmem>>, vector<1x1x16xf32>,
      %mul3A_192 = arith.constant 4 : i32
      %mul3A_193 = arith.muli %scan3A_133, %mul3A_192 : i32
      %add3A_194 = arith.constant 0 : i32
      %add3A_195 = arith.addi %mul3A_193, %add3A_194 : i32
      %get3A_196 = arith.constant 1 : i32
      %get3A_197 = arith.index_cast %get3A_196 : i32 to index
      %get3A_198 = arith.index_cast %add3A_195 : i32 to index
      %get3A_199 = arith.constant 48 : index
      %get3A_200 = tpu.vector_load %arg6[%get3A_197, %get3A_198, %get3A_199] {strides = array<i32>} : memref<2x800x64xf32, #tpu.memory_space<vmem>>, vector<1x1x16xf32>,
      %get3A_201 = vector.shape_cast %get3A_200 : vector<1x1x16xf32> to vector<16xf32>
      %mul3A_202 = arith.constant 8.000000e+00 : f32
      %mul3A_203 = vector.broadcast %mul3A_202 : f32 to vector<16xf32>
      %mul3A_204 = arith.mulf %get3A_201, %mul3A_203 : vector<16xf32>
      %swap3A_205 = arith.constant 1 : i32
      %swap3A_206 = arith.index_cast %swap3A_205 : i32 to index
      %swap3A_207 = arith.index_cast %add3A_195 : i32 to index
      %swap3A_208 = arith.constant 48 : index
      %swap3A_209 = tpu.vector_load %arg6[%swap3A_206, %swap3A_207, %swap3A_208] {strides = array<i32>} : memref<2x800x64xf32, #tpu.memory_space<vmem>>, vector<1x1x16xf32>,
      %swap3A_210 = vector.shape_cast %swap3A_209 : vector<1x1x16xf32> to vector<16xf32>
      %swap3A_211 = vector.shape_cast %mul3A_204 : vector<16xf32> to vector<1x1x16xf32>
      tpu.vector_store %arg6[%swap3A_206, %swap3A_207, %swap3A_208], %swap3A_211 {strides = array<i32>} : memref<2x800x64xf32, #tpu.memory_space<vmem>>, vector<1x1x16xf32>,
      %mul3A_212 = arith.constant 4 : i32
      %mul3A_213 = arith.muli %scan3A_133, %mul3A_212 : i32
      %add3A_214 = arith.constant 1 : i32
      %add3A_215 = arith.addi %mul3A_213, %add3A_214 : i32
      %get3A_216 = arith.constant 1 : i32
      %get3A_217 = arith.index_cast %get3A_216 : i32 to index
      %get3A_218 = arith.index_cast %add3A_215 : i32 to index
      %get3A_219 = arith.constant 0 : index
      %get3A_220 = tpu.vector_load %arg6[%get3A_217, %get3A_218, %get3A_219] {strides = array<i32>} : memref<2x800x64xf32, #tpu.memory_space<vmem>>, vector<1x1x16xf32>,
      %get3A_221 = vector.shape_cast %get3A_220 : vector<1x1x16xf32> to vector<16xf32>
      %mul3A_222 = arith.constant 8.000000e+00 : f32
      %mul3A_223 = vector.broadcast %mul3A_222 : f32 to vector<16xf32>
      %mul3A_224 = arith.mulf %get3A_221, %mul3A_223 : vector<16xf32>
      %swap3A_225 = arith.constant 1 : i32
      %swap3A_226 = arith.index_cast %swap3A_225 : i32 to index
      %swap3A_227 = arith.index_cast %add3A_215 : i32 to index
      %swap3A_228 = arith.constant 0 : index
      %swap3A_229 = tpu.vector_load %arg6[%swap3A_226, %swap3A_227, %swap3A_228] {strides = array<i32>} : memref<2x800x64xf32, #tpu.memory_space<vmem>>, vector<1x1x16xf32>,
      %swap3A_230 = vector.shape_cast %swap3A_229 : vector<1x1x16xf32> to vector<16xf32>
      %swap3A_231 = vector.shape_cast %mul3A_224 : vector<16xf32> to vector<1x1x16xf32>
      tpu.vector_store %arg6[%swap3A_226, %swap3A_227, %swap3A_228], %swap3A_231 {strides = array<i32>} : memref<2x800x64xf32, #tpu.memory_space<vmem>>, vector<1x1x16xf32>,
      %mul3A_232 = arith.constant 4 : i32
      %mul3A_233 = arith.muli %scan3A_133, %mul3A_232 : i32
      %add3A_234 = arith.constant 1 : i32
      %add3A_235 = arith.addi %mul3A_233, %add3A_234 : i32
      %get3A_236 = arith.constant 1 : i32
      %get3A_237 = arith.index_cast %get3A_236 : i32 to index
      %get3A_238 = arith.index_cast %add3A_235 : i32 to index
      %get3A_239 = arith.constant 16 : index
      %get3A_240 = tpu.vector_load %arg6[%get3A_237, %get3A_238, %get3A_239] {strides = array<i32>} : memref<2x800x64xf32, #tpu.memory_space<vmem>>, vector<1x1x16xf32>,
      %get3A_241 = vector.shape_cast %get3A_240 : vector<1x1x16xf32> to vector<16xf32>
      %mul3A_242 = arith.constant 8.000000e+00 : f32
      %mul3A_243 = vector.broadcast %mul3A_242 : f32 to vector<16xf32>
      %mul3A_244 = arith.mulf %get3A_241, %mul3A_243 : vector<16xf32>
      %swap3A_245 = arith.constant 1 : i32
      %swap3A_246 = arith.index_cast %swap3A_245 : i32 to index
      %swap3A_247 = arith.index_cast %add3A_235 : i32 to index
      %swap3A_248 = arith.constant 16 : index
      %swap3A_249 = tpu.vector_load %arg6[%swap3A_246, %swap3A_247, %swap3A_248] {strides = array<i32>} : memref<2x800x64xf32, #tpu.memory_space<vmem>>, vector<1x1x16xf32>,
      %swap3A_250 = vector.shape_cast %swap3A_249 : vector<1x1x16xf32> to vector<16xf32>
      %swap3A_251 = vector.shape_cast %mul3A_244 : vector<16xf32> to vector<1x1x16xf32>
      tpu.vector_store %arg6[%swap3A_246, %swap3A_247, %swap3A_248], %swap3A_251 {strides = array<i32>} : memref<2x800x64xf32, #tpu.memory_space<vmem>>, vector<1x1x16xf32>,
      %mul3A_252 = arith.constant 4 : i32
      %mul3A_253 = arith.muli %scan3A_133, %mul3A_252 : i32
      %add3A_254 = arith.constant 1 : i32
      %add3A_255 = arith.addi %mul3A_253, %add3A_254 : i32
      %get3A_256 = arith.constant 1 : i32
      %get3A_257 = arith.index_cast %get3A_256 : i32 to index
      %get3A_258 = arith.index_cast %add3A_255 : i32 to index
      %get3A_259 = arith.constant 32 : index
      %get3A_260 = tpu.vector_load %arg6[%get3A_257, %get3A_258, %get3A_259] {strides = array<i32>} : memref<2x800x64xf32, #tpu.memory_space<vmem>>, vector<1x1x16xf32>,
      %get3A_261 = vector.shape_cast %get3A_260 : vector<1x1x16xf32> to vector<16xf32>
      %mul3A_262 = arith.constant 8.000000e+00 : f32
      %mul3A_263 = vector.broadcast %mul3A_262 : f32 to vector<16xf32>
      %mul3A_264 = arith.mulf %get3A_261, %mul3A_263 : vector<16xf32>
      %swap3A_265 = arith.constant 1 : i32
      %swap3A_266 = arith.index_cast %swap3A_265 : i32 to index
      %swap3A_267 = arith.index_cast %add3A_255 : i32 to index
      %swap3A_268 = arith.constant 32 : index
      %swap3A_269 = tpu.vector_load %arg6[%swap3A_266, %swap3A_267, %swap3A_268] {strides = array<i32>} : memref<2x800x64xf32, #tpu.memory_space<vmem>>, vector<1x1x16xf32>,
      %swap3A_270 = vector.shape_cast %swap3A_269 : vector<1x1x16xf32> to vector<16xf32>
      %swap3A_271 = vector.shape_cast %mul3A_264 : vector<16xf32> to vector<1x1x16xf32>
      tpu.vector_store %arg6[%swap3A_266, %swap3A_267, %swap3A_268], %swap3A_271 {strides = array<i32>} : memref<2x800x64xf32, #tpu.memory_space<vmem>>, vector<1x1x16xf32>,
      %mul3A_272 = arith.constant 4 : i32
      %mul3A_273 = arith.muli %scan3A_133, %mul3A_272 : i32
      %add3A_274 = arith.constant 1 : i32
      %add3A_275 = arith.addi %mul3A_273, %add3A_274 : i32
      %get3A_276 = arith.constant 1 : i32
      %get3A_277 = arith.index_cast %get3A_276 : i32 to index
      %get3A_278 = arith.index_cast %add3A_275 : i32 to index
      %get3A_279 = arith.constant 48 : index
      %get3A_280 = tpu.vector_load %arg6[%get3A_277, %get3A_278, %get3A_279] {strides = array<i32>} : memref<2x800x64xf32, #tpu.memory_space<vmem>>, vector<1x1x16xf32>,
      %get3A_281 = vector.shape_cast %get3A_280 : vector<1x1x16xf32> to vector<16xf32>
      %mul3A_282 = arith.constant 8.000000e+00 : f32
      %mul3A_283 = vector.broadcast %mul3A_282 : f32 to vector<16xf32>
      %mul3A_284 = arith.mulf %get3A_281, %mul3A_283 : vector<16xf32>
      %swap3A_285 = arith.constant 1 : i32
      %swap3A_286 = arith.index_cast %swap3A_285 : i32 to index
      %swap3A_287 = arith.index_cast %add3A_275 : i32 to index
      %swap3A_288 = arith.constant 48 : index
      %swap3A_289 = tpu.vector_load %arg6[%swap3A_286, %swap3A_287, %swap3A_288] {strides = array<i32>} : memref<2x800x64xf32, #tpu.memory_space<vmem>>, vector<1x1x16xf32>,
      %swap3A_290 = vector.shape_cast %swap3A_289 : vector<1x1x16xf32> to vector<16xf32>
      %swap3A_291 = vector.shape_cast %mul3A_284 : vector<16xf32> to vector<1x1x16xf32>
      tpu.vector_store %arg6[%swap3A_286, %swap3A_287, %swap3A_288], %swap3A_291 {strides = array<i32>} : memref<2x800x64xf32, #tpu.memory_space<vmem>>, vector<1x1x16xf32>,
      %mul3A_292 = arith.constant 4 : i32
      %mul3A_293 = arith.muli %scan3A_133, %mul3A_292 : i32
      %add3A_294 = arith.constant 2 : i32
      %add3A_295 = arith.addi %mul3A_293, %add3A_294 : i32
      %get3A_296 = arith.constant 1 : i32
      %get3A_297 = arith.index_cast %get3A_296 : i32 to index
      %get3A_298 = arith.index_cast %add3A_295 : i32 to index
      %get3A_299 = arith.constant 0 : index
      %get3A_300 = tpu.vector_load %arg6[%get3A_297, %get3A_298, %get3A_299] {strides = array<i32>} : memref<2x800x64xf32, #tpu.memory_space<vmem>>, vector<1x1x16xf32>,
      %get3A_301 = vector.shape_cast %get3A_300 : vector<1x1x16xf32> to vector<16xf32>
      %mul3A_302 = arith.constant 8.000000e+00 : f32
      %mul3A_303 = vector.broadcast %mul3A_302 : f32 to vector<16xf32>
      %mul3A_304 = arith.mulf %get3A_301, %mul3A_303 : vector<16xf32>
      %swap3A_305 = arith.constant 1 : i32
      %swap3A_306 = arith.index_cast %swap3A_305 : i32 to index
      %swap3A_307 = arith.index_cast %add3A_295 : i32 to index
      %swap3A_308 = arith.constant 0 : index
      %swap3A_309 = tpu.vector_load %arg6[%swap3A_306, %swap3A_307, %swap3A_308] {strides = array<i32>} : memref<2x800x64xf32, #tpu.memory_space<vmem>>, vector<1x1x16xf32>,
      %swap3A_310 = vector.shape_cast %swap3A_309 : vector<1x1x16xf32> to vector<16xf32>
      %swap3A_311 = vector.shape_cast %mul3A_304 : vector<16xf32> to vector<1x1x16xf32>
      tpu.vector_store %arg6[%swap3A_306, %swap3A_307, %swap3A_308], %swap3A_311 {strides = array<i32>} : memref<2x800x64xf32, #tpu.memory_space<vmem>>, vector<1x1x16xf32>,
      %mul3A_312 = arith.constant 4 : i32
      %mul3A_313 = arith.muli %scan3A_133, %mul3A_312 : i32
      %add3A_314 = arith.constant 2 : i32
      %add3A_315 = arith.addi %mul3A_313, %add3A_314 : i32
      %get3A_316 = arith.constant 1 : i32
      %get3A_317 = arith.index_cast %get3A_316 : i32 to index
      %get3A_318 = arith.index_cast %add3A_315 : i32 to index
      %get3A_319 = arith.constant 16 : index
      %get3A_320 = tpu.vector_load %arg6[%get3A_317, %get3A_318, %get3A_319] {strides = array<i32>} : memref<2x800x64xf32, #tpu.memory_space<vmem>>, vector<1x1x16xf32>,
      %get3A_321 = vector.shape_cast %get3A_320 : vector<1x1x16xf32> to vector<16xf32>
      %mul3A_322 = arith.constant 8.000000e+00 : f32
      %mul3A_323 = vector.broadcast %mul3A_322 : f32 to vector<16xf32>
      %mul3A_324 = arith.mulf %get3A_321, %mul3A_323 : vector<16xf32>
      %swap3A_325 = arith.constant 1 : i32
      %swap3A_326 = arith.index_cast %swap3A_325 : i32 to index
      %swap3A_327 = arith.index_cast %add3A_315 : i32 to index
      %swap3A_328 = arith.constant 16 : index
      %swap3A_329 = tpu.vector_load %arg6[%swap3A_326, %swap3A_327, %swap3A_328] {strides = array<i32>} : memref<2x800x64xf32, #tpu.memory_space<vmem>>, vector<1x1x16xf32>,
      %swap3A_330 = vector.shape_cast %swap3A_329 : vector<1x1x16xf32> to vector<16xf32>
      %swap3A_331 = vector.shape_cast %mul3A_324 : vector<16xf32> to vector<1x1x16xf32>
      tpu.vector_store %arg6[%swap3A_326, %swap3A_327, %swap3A_328], %swap3A_331 {strides = array<i32>} : memref<2x800x64xf32, #tpu.memory_space<vmem>>, vector<1x1x16xf32>,
      %mul3A_332 = arith.constant 4 : i32
      %mul3A_333 = arith.muli %scan3A_133, %mul3A_332 : i32
      %add3A_334 = arith.constant 2 : i32
      %add3A_335 = arith.addi %mul3A_333, %add3A_334 : i32
      %get3A_336 = arith.constant 1 : i32
      %get3A_337 = arith.index_cast %get3A_336 : i32 to index
      %get3A_338 = arith.index_cast %add3A_335 : i32 to index
      %get3A_339 = arith.constant 32 : index
      %get3A_340 = tpu.vector_load %arg6[%get3A_337, %get3A_338, %get3A_339] {strides = array<i32>} : memref<2x800x64xf32, #tpu.memory_space<vmem>>, vector<1x1x16xf32>,
      %get3A_341 = vector.shape_cast %get3A_340 : vector<1x1x16xf32> to vector<16xf32>
      %mul3A_342 = arith.constant 8.000000e+00 : f32
      %mul3A_343 = vector.broadcast %mul3A_342 : f32 to vector<16xf32>
      %mul3A_344 = arith.mulf %get3A_341, %mul3A_343 : vector<16xf32>
      %swap3A_345 = arith.constant 1 : i32
      %swap3A_346 = arith.index_cast %swap3A_345 : i32 to index
      %swap3A_347 = arith.index_cast %add3A_335 : i32 to index
      %swap3A_348 = arith.constant 32 : index
      %swap3A_349 = tpu.vector_load %arg6[%swap3A_346, %swap3A_347, %swap3A_348] {strides = array<i32>} : memref<2x800x64xf32, #tpu.memory_space<vmem>>, vector<1x1x16xf32>,
      %swap3A_350 = vector.shape_cast %swap3A_349 : vector<1x1x16xf32> to vector<16xf32>
      %swap3A_351 = vector.shape_cast %mul3A_344 : vector<16xf32> to vector<1x1x16xf32>
      tpu.vector_store %arg6[%swap3A_346, %swap3A_347, %swap3A_348], %swap3A_351 {strides = array<i32>} : memref<2x800x64xf32, #tpu.memory_space<vmem>>, vector<1x1x16xf32>,
      %mul3A_352 = arith.constant 4 : i32
      %mul3A_353 = arith.muli %scan3A_133, %mul3A_352 : i32
      %add3A_354 = arith.constant 2 : i32
      %add3A_355 = arith.addi %mul3A_353, %add3A_354 : i32
      %get3A_356 = arith.constant 1 : i32
      %get3A_357 = arith.index_cast %get3A_356 : i32 to index
      %get3A_358 = arith.index_cast %add3A_355 : i32 to index
      %get3A_359 = arith.constant 48 : index
      %get3A_360 = tpu.vector_load %arg6[%get3A_357, %get3A_358, %get3A_359] {strides = array<i32>} : memref<2x800x64xf32, #tpu.memory_space<vmem>>, vector<1x1x16xf32>,
      %get3A_361 = vector.shape_cast %get3A_360 : vector<1x1x16xf32> to vector<16xf32>
      %mul3A_362 = arith.constant 8.000000e+00 : f32
      %mul3A_363 = vector.broadcast %mul3A_362 : f32 to vector<16xf32>
      %mul3A_364 = arith.mulf %get3A_361, %mul3A_363 : vector<16xf32>
      %swap3A_365 = arith.constant 1 : i32
      %swap3A_366 = arith.index_cast %swap3A_365 : i32 to index
      %swap3A_367 = arith.index_cast %add3A_355 : i32 to index
      %swap3A_368 = arith.constant 48 : index
      %swap3A_369 = tpu.vector_load %arg6[%swap3A_366, %swap3A_367, %swap3A_368] {strides = array<i32>} : memref<2x800x64xf32, #tpu.memory_space<vmem>>, vector<1x1x16xf32>,
      %swap3A_370 = vector.shape_cast %swap3A_369 : vector<1x1x16xf32> to vector<16xf32>
      %swap3A_371 = vector.shape_cast %mul3A_364 : vector<16xf32> to vector<1x1x16xf32>
      tpu.vector_store %arg6[%swap3A_366, %swap3A_367, %swap3A_368], %swap3A_371 {strides = array<i32>} : memref<2x800x64xf32, #tpu.memory_space<vmem>>, vector<1x1x16xf32>,
      %mul3A_372 = arith.constant 4 : i32
      %mul3A_373 = arith.muli %scan3A_133, %mul3A_372 : i32
      %add3A_374 = arith.constant 3 : i32
      %add3A_375 = arith.addi %mul3A_373, %add3A_374 : i32
      %get3A_376 = arith.constant 1 : i32
      %get3A_377 = arith.index_cast %get3A_376 : i32 to index
      %get3A_378 = arith.index_cast %add3A_375 : i32 to index
      %get3A_379 = arith.constant 0 : index
      %get3A_380 = tpu.vector_load %arg6[%get3A_377, %get3A_378, %get3A_379] {strides = array<i32>} : memref<2x800x64xf32, #tpu.memory_space<vmem>>, vector<1x1x16xf32>,
      %get3A_381 = vector.shape_cast %get3A_380 : vector<1x1x16xf32> to vector<16xf32>
      %mul3A_382 = arith.constant 8.000000e+00 : f32
      %mul3A_383 = vector.broadcast %mul3A_382 : f32 to vector<16xf32>
      %mul3A_384 = arith.mulf %get3A_381, %mul3A_383 : vector<16xf32>
      %swap3A_385 = arith.constant 1 : i32
      %swap3A_386 = arith.index_cast %swap3A_385 : i32 to index
      %swap3A_387 = arith.index_cast %add3A_375 : i32 to index
      %swap3A_388 = arith.constant 0 : index
      %swap3A_389 = tpu.vector_load %arg6[%swap3A_386, %swap3A_387, %swap3A_388] {strides = array<i32>} : memref<2x800x64xf32, #tpu.memory_space<vmem>>, vector<1x1x16xf32>,
      %swap3A_390 = vector.shape_cast %swap3A_389 : vector<1x1x16xf32> to vector<16xf32>
      %swap3A_391 = vector.shape_cast %mul3A_384 : vector<16xf32> to vector<1x1x16xf32>
      tpu.vector_store %arg6[%swap3A_386, %swap3A_387, %swap3A_388], %swap3A_391 {strides = array<i32>} : memref<2x800x64xf32, #tpu.memory_space<vmem>>, vector<1x1x16xf32>,
      %mul3A_392 = arith.constant 4 : i32
      %mul3A_393 = arith.muli %scan3A_133, %mul3A_392 : i32
      %add3A_394 = arith.constant 3 : i32
      %add3A_395 = arith.addi %mul3A_393, %add3A_394 : i32
      %get3A_396 = arith.constant 1 : i32
      %get3A_397 = arith.index_cast %get3A_396 : i32 to index
      %get3A_398 = arith.index_cast %add3A_395 : i32 to index
      %get3A_399 = arith.constant 16 : index
      %get3A_400 = tpu.vector_load %arg6[%get3A_397, %get3A_398, %get3A_399] {strides = array<i32>} : memref<2x800x64xf32, #tpu.memory_space<vmem>>, vector<1x1x16xf32>,
      %get3A_401 = vector.shape_cast %get3A_400 : vector<1x1x16xf32> to vector<16xf32>
      %mul3A_402 = arith.constant 8.000000e+00 : f32
      %mul3A_403 = vector.broadcast %mul3A_402 : f32 to vector<16xf32>
      %mul3A_404 = arith.mulf %get3A_401, %mul3A_403 : vector<16xf32>
      %swap3A_405 = arith.constant 1 : i32
      %swap3A_406 = arith.index_cast %swap3A_405 : i32 to index
      %swap3A_407 = arith.index_cast %add3A_395 : i32 to index
      %swap3A_408 = arith.constant 16 : index
      %swap3A_409 = tpu.vector_load %arg6[%swap3A_406, %swap3A_407, %swap3A_408] {strides = array<i32>} : memref<2x800x64xf32, #tpu.memory_space<vmem>>, vector<1x1x16xf32>,
      %swap3A_410 = vector.shape_cast %swap3A_409 : vector<1x1x16xf32> to vector<16xf32>
      %swap3A_411 = vector.shape_cast %mul3A_404 : vector<16xf32> to vector<1x1x16xf32>
      tpu.vector_store %arg6[%swap3A_406, %swap3A_407, %swap3A_408], %swap3A_411 {strides = array<i32>} : memref<2x800x64xf32, #tpu.memory_space<vmem>>, vector<1x1x16xf32>,
      %mul3A_412 = arith.constant 4 : i32
      %mul3A_413 = arith.muli %scan3A_133, %mul3A_412 : i32
      %add3A_414 = arith.constant 3 : i32
      %add3A_415 = arith.addi %mul3A_413, %add3A_414 : i32
      %get3A_416 = arith.constant 1 : i32
      %get3A_417 = arith.index_cast %get3A_416 : i32 to index
      %get3A_418 = arith.index_cast %add3A_415 : i32 to index
      %get3A_419 = arith.constant 32 : index
      %get3A_420 = tpu.vector_load %arg6[%get3A_417, %get3A_418, %get3A_419] {strides = array<i32>} : memref<2x800x64xf32, #tpu.memory_space<vmem>>, vector<1x1x16xf32>,
      %get3A_421 = vector.shape_cast %get3A_420 : vector<1x1x16xf32> to vector<16xf32>
      %mul3A_422 = arith.constant 8.000000e+00 : f32
      %mul3A_423 = vector.broadcast %mul3A_422 : f32 to vector<16xf32>
      %mul3A_424 = arith.mulf %get3A_421, %mul3A_423 : vector<16xf32>
      %swap3A_425 = arith.constant 1 : i32
      %swap3A_426 = arith.index_cast %swap3A_425 : i32 to index
      %swap3A_427 = arith.index_cast %add3A_415 : i32 to index
      %swap3A_428 = arith.constant 32 : index
      %swap3A_429 = tpu.vector_load %arg6[%swap3A_426, %swap3A_427, %swap3A_428] {strides = array<i32>} : memref<2x800x64xf32, #tpu.memory_space<vmem>>, vector<1x1x16xf32>,
      %swap3A_430 = vector.shape_cast %swap3A_429 : vector<1x1x16xf32> to vector<16xf32>
      %swap3A_431 = vector.shape_cast %mul3A_424 : vector<16xf32> to vector<1x1x16xf32>
      tpu.vector_store %arg6[%swap3A_426, %swap3A_427, %swap3A_428], %swap3A_431 {strides = array<i32>} : memref<2x800x64xf32, #tpu.memory_space<vmem>>, vector<1x1x16xf32>,
      %mul3A_432 = arith.constant 4 : i32
      %mul3A_433 = arith.muli %scan3A_133, %mul3A_432 : i32
      %add3A_434 = arith.constant 3 : i32
      %add3A_435 = arith.addi %mul3A_433, %add3A_434 : i32
      %get3A_436 = arith.constant 1 : i32
      %get3A_437 = arith.index_cast %get3A_436 : i32 to index
      %get3A_438 = arith.index_cast %add3A_435 : i32 to index
      %get3A_439 = arith.constant 48 : index
      %get3A_440 = tpu.vector_load %arg6[%get3A_437, %get3A_438, %get3A_439] {strides = array<i32>} : memref<2x800x64xf32, #tpu.memory_space<vmem>>, vector<1x1x16xf32>,
      %get3A_441 = vector.shape_cast %get3A_440 : vector<1x1x16xf32> to vector<16xf32>
      %mul3A_442 = arith.constant 8.000000e+00 : f32
      %mul3A_443 = vector.broadcast %mul3A_442 : f32 to vector<16xf32>
      %mul3A_444 = arith.mulf %get3A_441, %mul3A_443 : vector<16xf32>
      %swap3A_445 = arith.constant 1 : i32
      %swap3A_446 = arith.index_cast %swap3A_445 : i32 to index
      %swap3A_447 = arith.index_cast %add3A_435 : i32 to index
      %swap3A_448 = arith.constant 48 : index
      %swap3A_449 = tpu.vector_load %arg6[%swap3A_446, %swap3A_447, %swap3A_448] {strides = array<i32>} : memref<2x800x64xf32, #tpu.memory_space<vmem>>, vector<1x1x16xf32>,
      %swap3A_450 = vector.shape_cast %swap3A_449 : vector<1x1x16xf32> to vector<16xf32>
      %swap3A_451 = vector.shape_cast %mul3A_444 : vector<16xf32> to vector<1x1x16xf32>
      tpu.vector_store %arg6[%swap3A_446, %swap3A_447, %swap3A_448], %swap3A_451 {strides = array<i32>} : memref<2x800x64xf32, #tpu.memory_space<vmem>>, vector<1x1x16xf32>,
    }
    %scan3A_87 = arith.constant 200 : i32
    %add3A_88 = arith.constant 800 : i32
    %add3A_89 = arith.addi %add3A_37, %add3A_88 : i32
    %dma_start3A_90 = arith.constant 1 : i32
    %dma_start3A_91 = arith.constant 0 : i32
    %dma_start3A_92 = arith.constant 0 : i32
    %dma_start3A_93 = tpu.memref_slice %arg6[%dma_start3A_90, %dma_start3A_91, %dma_start3A_92] : memref<2x800x64xf32, #tpu.memory_space<vmem>> -> memref<1x800x64xf32, #tpu.memory_space<vmem>>
    %dma_start3A_94 = tpu.memref_squeeze %dma_start3A_93 : memref<1x800x64xf32, #tpu.memory_space<vmem>> -> memref<800x64xf32, #tpu.memory_space<vmem>>
    %dma_start3A_95 = arith.constant 0 : i32
    %dma_start3A_96 = tpu.memref_slice %arg4[%add3A_89, %dma_start3A_95] : memref<819200x64xf32, #tpu.memory_space<hbm>> -> memref<800x64xf32, #tpu.memory_space<hbm>>
    %dma_start3A_97 = arith.constant 0 : i32
    %dma_start3A_98 = tpu.memref_slice %arg4[%add3A_89, %dma_start3A_97] : memref<819200x64xf32, #tpu.memory_space<hbm>> -> memref<800x64xf32, #tpu.memory_space<hbm>>
    %dma_start3A_99 = arith.constant 0 : i32
    %dma_start3A_100 = arith.constant 0 : i32
    %dma_start3A_101 = tpu.memref_slice %arg6[%dma_start3A_90, %dma_start3A_99, %dma_start3A_100] : memref<2x800x64xf32, #tpu.memory_space<vmem>> -> memref<1x800x64xf32, #tpu.memory_space<vmem>>
    %dma_start3A_102 = tpu.memref_squeeze %dma_start3A_101 : memref<1x800x64xf32, #tpu.memory_space<vmem>> -> memref<800x64xf32, #tpu.memory_space<vmem>>
    tpu.enqueue_dma source(%dma_start3A_102 : memref<800x64xf32, #tpu.memory_space<vmem>>) target(%dma_start3A_98 : memref<800x64xf32, #tpu.memory_space<hbm>>) target_semaphore(%arg10 : memref<!tpu.dma_semaphore, #tpu.memory_space<semaphore_mem>>)
    %add3A_103 = arith.constant 0 : i32
    %add3A_104 = arith.addi %add3A_37, %add3A_103 : i32
    %dma_wait3A_105 = arith.constant 0 : i32
    %dma_wait3A_106 = arith.constant 0 : i32
    %dma_wait3A_107 = arith.constant 0 : i32
    %dma_wait3A_108 = tpu.memref_slice %arg6[%dma_wait3A_105, %dma_wait3A_106, %dma_wait3A_107] : memref<2x800x64xf32, #tpu.memory_space<vmem>> -> memref<1x800x64xf32, #tpu.memory_space<vmem>>
    %dma_wait3A_109 = tpu.memref_squeeze %dma_wait3A_108 : memref<1x800x64xf32, #tpu.memory_space<vmem>> -> memref<800x64xf32, #tpu.memory_space<vmem>>
    %dma_wait3A_110 = arith.constant 0 : i32
    %dma_wait3A_111 = tpu.memref_slice %arg4[%add3A_104, %dma_wait3A_110] : memref<819200x64xf32, #tpu.memory_space<hbm>> -> memref<800x64xf32, #tpu.memory_space<hbm>>
    %dma_wait3A_112 = arith.constant 0 : i32
    %dma_wait3A_113 = tpu.memref_slice %arg4[%add3A_104, %dma_wait3A_112] : memref<819200x64xf32, #tpu.memory_space<hbm>> -> memref<800x64xf32, #tpu.memory_space<hbm>>
    %dma_wait3A_114 = arith.constant 0 : i32
    %dma_wait3A_115 = arith.constant 0 : i32
    %dma_wait3A_116 = tpu.memref_slice %arg6[%dma_wait3A_105, %dma_wait3A_114, %dma_wait3A_115] : memref<2x800x64xf32, #tpu.memory_space<vmem>> -> memref<1x800x64xf32, #tpu.memory_space<vmem>>
    %dma_wait3A_117 = tpu.memref_squeeze %dma_wait3A_116 : memref<1x800x64xf32, #tpu.memory_space<vmem>> -> memref<800x64xf32, #tpu.memory_space<vmem>>
    tpu.wait_dma2 semaphore(%arg9 : memref<!tpu.dma_semaphore, #tpu.memory_space<semaphore_mem>>) src(%dma_wait3A_117 : memref<800x64xf32, #tpu.memory_space<vmem>>) dst(%dma_wait3A_113 : memref<800x64xf32, #tpu.memory_space<hbm>>)
    %add3A_118 = arith.constant 800 : i32
    %add3A_119 = arith.addi %add3A_37, %add3A_118 : i32
    %dma_wait3A_120 = arith.constant 1 : i32
    %dma_wait3A_121 = arith.constant 0 : i32
    %dma_wait3A_122 = arith.constant 0 : i32
    %dma_wait3A_123 = tpu.memref_slice %arg6[%dma_wait3A_120, %dma_wait3A_121, %dma_wait3A_122] : memref<2x800x64xf32, #tpu.memory_space<vmem>> -> memref<1x800x64xf32, #tpu.memory_space<vmem>>
    %dma_wait3A_124 = tpu.memref_squeeze %dma_wait3A_123 : memref<1x800x64xf32, #tpu.memory_space<vmem>> -> memref<800x64xf32, #tpu.memory_space<vmem>>
    %dma_wait3A_125 = arith.constant 0 : i32
    %dma_wait3A_126 = tpu.memref_slice %arg4[%add3A_119, %dma_wait3A_125] : memref<819200x64xf32, #tpu.memory_space<hbm>> -> memref<800x64xf32, #tpu.memory_space<hbm>>
    %dma_wait3A_127 = arith.constant 0 : i32
    %dma_wait3A_128 = tpu.memref_slice %arg4[%add3A_119, %dma_wait3A_127] : memref<819200x64xf32, #tpu.memory_space<hbm>> -> memref<800x64xf32, #tpu.memory_space<hbm>>
    %dma_wait3A_129 = arith.constant 0 : i32
    %dma_wait3A_130 = arith.constant 0 : i32
    %dma_wait3A_131 = tpu.memref_slice %arg6[%dma_wait3A_120, %dma_wait3A_129, %dma_wait3A_130] : memref<2x800x64xf32, #tpu.memory_space<vmem>> -> memref<1x800x64xf32, #tpu.memory_space<vmem>>
    %dma_wait3A_132 = tpu.memref_squeeze %dma_wait3A_131 : memref<1x800x64xf32, #tpu.memory_space<vmem>> -> memref<800x64xf32, #tpu.memory_space<vmem>>
    tpu.wait_dma2 semaphore(%arg10 : memref<!tpu.dma_semaphore, #tpu.memory_space<semaphore_mem>>) src(%dma_wait3A_132 : memref<800x64xf32, #tpu.memory_space<vmem>>) dst(%dma_wait3A_128 : memref<800x64xf32, #tpu.memory_space<hbm>>)
    return
  }
}

</mosaic_0001>

<sc_bundles>
// kernel: kernel.3.cloned.1.call-start
scs
__scs_entry_jumppad:
0x0: {  	(pc) =	sbr.rel $0x88, $3  }
0x1: {  	(tag) =	ssettag $0x0;
	lr =	simm.s32 $0x1  }
0x2: {  	[smem:$0x3F9F] =	sst lr;
	_ =	strace $0xD0000000  }
0x3: {  	_ = 	snop  }
0x4: {  	_ = 	snop  }
0x5: {  	_ = 	snop  }
0x6: {  	_ = 	snop  }
0x7: {  	_ = 	snop  }
__scs_overlays_trampoline_lowered:
0x8: {  	[smem:$0x3FAE] =	sst s0  }
0x9: {  	[smem:$0x3FAF] =	sst s1  }
0xa: {  	[smem:$0x3FB0] =	sst s2  }
0xb: {  	[smem:$0x3FB1] =	sst s3  }
0xc: {  	[smem:$0x3FB2] =	sst s4  }
0xd: {  	[smem:$0x3FB3] =	sst s5  }
0xe: {  	[smem:$0x3FB4] =	sst s6  }
0xf: {  	[smem:$0x3FB5] =	sst s7  }
0x10: {  	[smem:$0x3FB6] =	sst s8  }
0x11: {  	[smem:$0x3FB7] =	sst s9;
	s0 =	simm.s32 @!p0 $0x0  }
0x12: {  	s1 =	sld [smem:$0x3F9D];
	s0 =	simm.s32 @p0 $0x1  }
0x13: {  	[smem:$0x3FB8] =	sst s0;
	s0 =	simm.s32 @!p1 $0x0  }
0x14: {  	s2 =	sld [smem:$0x3F9C];
	s0 =	simm.s32 @p1 $0x1  }
0x15: {  	[smem:$0x3FB9] =	sst s0;
	s0 =	simm.s32 @!p2 $0x0  }
0x16: {  	s3 =	sld [smem:$0x3FDB];
	s0 =	simm.s32 @p2 $0x1  }
0x17: {  	s4 =	simm.s32 $0x1BF5;
	[smem:$0x3FBB] =	sst s0  }
0x18: {  	s0 =	sld [smem:$0x3F9E];
	_ =	swait.ge [sflag:s4], $0x0  }
0x19: {  	s7 =	sld [smem:$0x3F9F]  }
0x1a: {  	s8 =	sadd.s32 $0xFFFFE003, lr  }
0x1b: {  	s9 =	sadd.s32 $0xFFFFFEF7, lr;
	s5 =	simm.s32 $0xFFFFFFFF;
	p2 =	slt.u32 s8, $0xFFFFF086  }
0x1c: {  	p1 =	slt.u32 s9, $0xF7A;
	s5 =	simm.s32 @!p2 $0x0  }
0x1d: {  	s5 =	simm.s32 @p1 $0x1;
	p0 =	seq.s32 s7, s2  }
0x1e: {  	s7 =	smul.u32 @!p0 $0xF7A, s2;
	p2 =	seq.s32 @!p0 s5, $0x0  }
0x1f: {  	s9 =	smul.u32 $0xF7A, s1;
	s8 =	simm.s32 @!p0 $0x1BF5;
	p2 =	por !p2, p0  }
0x20: {  	[sflag:s8] =	ssyncset.s32 @!p0 $0xFFFFF086;
	s6 =	sadd.s32 @!p0 s3, s7;
	s7 =	simm.s32 @!p0 $0x108  }
0x21: {  	s3 =	sadd.s32 s3, s9;
	s6 =	sadd.s32 @!p0 $0x88, s6;
	s7 =	simm.s32 @p2 $0x1082  }
0x22: {  	[simem:s7], [sflag:s8] =	dma.local @!p0 [hbm:s6], $0xF7A  }
0x23: {  	s9 =	sor.u32 $0xD0000000, s2;
	s6 =	simm.s32 $0x108;
	_ =	swait.ge @!p0 [sflag:s8], $0x0  }
0x24: {  	s3 =	sadd.s32 $0x88, s3;
	s6 =	simm.s32 @!p1 $0x1082;
	[sflag:s4] =	ssyncset.s32 $0xFFFFF086  }
0x25: {  	[simem:s6], [sflag:s4] =	dma.local [hbm:s3], $0xF7A  }
0x26: {  	[smem:$0x3F9F] =	sst s1;
	(tag) =	ssettag s2;
	_ =	strace s9  }
0x27: {  	s1 =	sld [smem:$0x3FAF]  }
0x28: {  	s2 =	sld [smem:$0x3FB0]  }
0x29: {  	s4 =	sld [smem:$0x3FB2]  }
0x2a: {  	p0 =	seq.s32 s5, $0x0;
	s5 =	sld [smem:$0x3FB3]  }
0x2b: {  	s6 =	sld [smem:$0x3FB4]  }
0x2c: {  	s7 =	sld [smem:$0x3FB5]  }
0x2d: {  	s3 =	simm.s32 $0x108;
	s8 =	sld [smem:$0x3FB6]  }
0x2e: {  	s3 =	simm.s32 @!p0 $0x1082;
	s9 =	sld [smem:$0x3FB7]  }
0x2f: {  	lr =	sadd.s32 s0, s3;
	s0 =	sld [smem:$0x3FAE]  }
0x30: {  	s3 =	sld [smem:$0x3FB1]  }
0x31: {  	[smem:$0x3FBA] =	sst s10  }
0x32: {  	s10 =	sld [smem:$0x3FB8];
	_ =	sdelay $0x3  }
0x33: {  	p0 =	seq.s32 s10, $0x1;
	s10 =	sld [smem:$0x3FBA];
	_ =	sdelay $0x3  }
0x34: {  	[smem:$0x3FBA] =	sst s10  }
0x35: {  	s10 =	sld [smem:$0x3FB9];
	_ =	sdelay $0x3  }
0x36: {  	p1 =	seq.s32 s10, $0x1;
	s10 =	sld [smem:$0x3FBA];
	_ =	sdelay $0x3  }
0x37: {  	[smem:$0x3FBA] =	sst s10  }
0x38: {  	s10 =	sld [smem:$0x3FBB]  }
0x39: {  	_ = 	snop;
	(pc) =	sbr.ind lr, $3  }
0x3a: {  	_ = 	snop  }
0x3b: {  	_ = 	snop  }
0x3c: {  	p2 =	seq.s32 s10, $0x1;
	s10 =	sld [smem:$0x3FBA]  }
0x3d: {  	_ =	shalt  }
0x3e: {  	_ =	shalt  }
0x3f: {  	_ =	shalt  }
0x40: {  	_ =	shalt  }
0x41: {  	_ =	shalt  }
0x42: {  	_ =	shalt  }
0x43: {  	_ =	shalt  }
0x44: {  	_ =	shalt  }
0x45: {  	_ =	shalt  }
0x46: {  	_ =	shalt  }
0x47: {  	_ =	shalt  }
0x48: {  	_ =	shalt  }
0x49: {  	_ =	shalt  }
0x4a: {  	_ =	shalt  }
0x4b: {  	_ =	shalt  }
0x4c: {  	_ =	shalt  }
0x4d: {  	_ =	shalt  }
0x4e: {  	_ =	shalt  }
0x4f: {  	_ =	shalt  }
0x50: {  	_ =	shalt  }
0x51: {  	_ =	shalt  }
0x52: {  	_ =	shalt  }
0x53: {  	_ =	shalt  }
0x54: {  	_ =	shalt  }
0x55: {  	_ =	shalt  }
0x56: {  	_ =	shalt  }
0x57: {  	_ =	shalt  }
0x58: {  	_ =	shalt  }
0x59: {  	_ =	shalt  }
0x5a: {  	_ =	shalt  }
0x5b: {  	_ =	shalt  }
0x5c: {  	_ =	shalt  }
0x5d: {  	_ =	shalt  }
0x5e: {  	_ =	shalt  }
0x5f: {  	_ =	shalt  }
0x60: {  	_ =	shalt  }
0x61: {  	_ =	shalt  }
0x62: {  	_ =	shalt  }
0x63: {  	_ =	shalt  }
0x64: {  	_ =	shalt  }
0x65: {  	_ =	shalt  }
0x66: {  	_ =	shalt  }
0x67: {  	_ =	shalt  }
0x68: {  	_ =	shalt  }
0x69: {  	_ =	shalt  }
0x6a: {  	_ =	shalt  }
0x6b: {  	_ =	shalt  }
0x6c: {  	_ =	shalt  }
0x6d: {  	_ =	shalt  }
0x6e: {  	_ =	shalt  }
0x6f: {  	_ =	shalt  }
0x70: {  	_ =	shalt  }
0x71: {  	_ =	shalt  }
0x72: {  	_ =	shalt  }
0x73: {  	_ =	shalt  }
0x74: {  	_ =	shalt  }
0x75: {  	_ =	shalt  }
0x76: {  	_ =	shalt  }
0x77: {  	_ =	shalt  }
0x78: {  	_ =	shalt  }
0x79: {  	_ =	shalt  }
0x7a: {  	_ =	shalt  }
0x7b: {  	_ =	shalt  }
0x7c: {  	_ =	shalt  }
0x7d: {  	_ =	shalt  }
0x7e: {  	_ =	shalt  }
0x7f: {  	_ =	shalt  }
0x80: {  	_ =	shalt  }
0x81: {  	_ =	shalt  }
0x82: {  	_ =	shalt  }
0x83: {  	_ =	shalt  }
0x84: {  	_ =	shalt  }
0x85: {  	_ =	shalt  }
0x86: {  	_ =	shalt  }
0x87: {  	_ =	shalt  }
.Lfunc_end0:
.L_simem_size_0:
called_computation.1_lowered:
.L_overlay_start_0:
0x88: {  	s2 =	sld [smem:$0x3FD9]  }
0x89: {  	s3 =	sld [smem:$0x3FFE];
	_ =	sdelay $0x1  }
0x8a: {  	s1 =	srdreg.scid  }
0x8b: {  	s0 =	sand.u32 $0x1, s1  }
0x8c: {  	s17 =	sshll.u32 s0, $0xA;
	s2 =	sadd.s32 s3, s2  }
0x8d: {  	s2 =	sadd.s32 s2, s17  }
0x8e: {  	[smem:$0x3FC6] =	sst s2  }
0x8f: {  	_ = 	snop  }
0x90: {  	s2 =	sld [smem:$0x3FD0];
	(tm) =	ssettm $0x1  }
0x91: {  	s18 =	sld [smem:$0x3FFB];
	_ =	sdelay $0x3  }
0x92: {  	_ =	strace s18  }
0x93: {  	s3 =	sld [smem:$0x3FFC];
	_ =	sdelay $0x3  }
0x94: {  	_ =	strace s3  }
0x95: {  	s3 =	sld [smem:$0x3FFD];
	_ =	sdelay $0x3  }
0x96: {  	_ =	strace s3  }
0x97: {  	_ =	strace $0x8FFFFFFF  }
0x98: {  	s19 =	sld [smem:$0x3FDB];
	_ =	sdelay $0x1  }
0x99: {  	s4 =	simm.s32 $_scs_section_size  }
0x9a: {  	s5 =	simm.s32 $_size__tile_overlayer_lowered;
	s6 =	simm.s32 $_tile_overlayer_lowered  }
0x9b: {  	s22 =	simm.s32 $0x1BFF;
	s21 =	sshll.u32 s6, $0x1;
	s3 =	sadd.s32 s4, s19  }
0x9c: {  	s7 =	simm.s32 $0x0;
	s20 =	sshll.u32 s5, $0x1;
	s5 =	sadd.s32 s21, s3  }
0x9d: {  	[timem:s7], [sflag:s22] =	dma.local [hbm:s5], s20  }
0x9e: {  	_ =	swait.ge [sflag:s22], s20  }
0x9f: {  	s4 =	ssub.s32 $0x0, s20;
	[sflag:s22] =	ssyncset.done $0x0  }
0xa0: {  	[sflag:s22] =	ssyncadd.s32 s4;
	_ =	sdelay $0x1  }
0xa1: {  	s23 =	simm.s32 $0x1B8B  }
0xa2: {  	_ =	swait.ge [sflag:s23], $0x1  }
0xa3: {  	[sflag:s23] =	ssyncset.done $0x0  }
0xa4: {  	s25 =	simm.s32 $0x1B8E;
	s24 =	sld [smem:$0x3FFE];
	[sflag:s23] =	ssyncadd.s32 $0xFFFFFFFF  }
0xa5: {  	s26 =	simm.s32 $execute0_lowered;
	[smem:$0x3FD2] =	sst s25  }
0xa6: {  	s5 =	sshll.u32 s26, $0x1;
	_ =	strace $0x80000046;
	[dreg:$0x1] =	wrdreg $0xFFFFFFFF  }
0xa7: {  	s28 =	simm.s32 $_size_execute0_lowered;
	s3 =	sadd.s32 s3, s5;
	[dreg:$0x0] =	wrdreg $0x0  }
0xa8: {  	s5 =	sshll.u32 s28, $0x1;
	[dreg:$0x2] =	wrdreg s3  }
0xa9: {  	[dreg:$0x3] =	wrdreg s5  }
0xaa: {  	[dreg:$0x4] =	wrdreg $0xC0  }
0xab: {  	_ =	task [dreg:s7], $0x5FFFF  }
0xac: {  	[dreg:$0x1] =	wrdreg $0xFFFFFFFF  }
0xad: {  	[dreg:$0x0] =	wrdreg $0x60  }
0xae: {  	[dreg:$0x2] =	wrdreg s24  }
0xaf: {  	[dreg:$0x3] =	wrdreg s2  }
0xb0: {  	[dreg:$0x4] =	wrdreg $0x9  }
0xb1: {  	_ =	task.clear_ibuf [dreg:s7], $0x5FFFF;
	_ =	strace $0x90000046  }
0xb2: {  	s29 =	simm.s32 $0x9;
	_ =	strace $0x80000048  }
0xb3: {  	_ =	swait.ge [sflag:s29], $0x1  }
0xb4: {  	[sflag:s29] =	ssyncadd.s32 $0xFFFFFFFF  }
0xb5: {  	_ =	strace $0x90000048  }
0xb6: {  	_ =	sfence  }
0xb7: {  	s30 =	sld [smem:$0x0];
	_ =	sdelay $0x2  }
0xb8: {  	s31 =	sshll.u32 s1, $0xD;
	s1 =	sshrl.u32 s1, $0x2  }
0xb9: {  	s3 =	sand.u32 $0x4000, s31;
	s1 =	sadd.s32 s1, s30  }
0xba: {  	s0 =	sor.u32 s3, s0;
	s1 =	sshll.u32 s1, $0x11  }
0xbb: {  	s0 =	sor.u32 s1, s0  }
0xbc: {  	s0 =	sadd.s32 $0x8F2B, s0  }
0xbd: {  	[sflag:s0] =	ssyncadd.remote.s32 $0x1  }
0xbe: {  	_ =	sfence.sel $0xFFFF  }
0xbf: {  	[dreg:$0x0] =	wrdreg $0xFFFFFFFF;
	(pc) =	sbr.abs _section_cstart, $3  }
0xc0: {  	[dreg:$0x1] =	wrdreg $0xFFFFFFFF  }
0xc1: {  	_ =	task.clear_ibuf [dreg:s7], $0x2FFFF;
	_ =	strace $0x9FFFFFFF  }
0xc2: {  	(tm) =	ssettm $0x7FFFFFFF  }
0xc3: {  	_ =	shalt  }
tec
execute0_lowered:
.L_overlay_start_1:
0x0: {  	(tag) =	ssettag $0x1  }
0x1: {  	s6 =	rddreg [dreg:$0x0]  }
0x2: {  	s2 =	rddreg [dreg:$0x1]  }
0x3: {  	s0 =	rddreg [dreg:$0x2]  }
0x4: {  	s4 =	srdreg.scid;
	s1 =	stileid.u32;
	s3 =	simm.s32 $0x0  }
0x5: {  	s13 =	simm.s32 $0x5;
	s14 =	simm.s32 $0x320;
	s15 =	simm.s32 $0x640  }
0x6: {  	s16 =	simm.s32 $0xCE40;
	s17 =	simm.s32 $0x1;
	s18 =	simm.s32 $0x2  }
0x7: {  	s19 =	simm.s32 $0x3;
	s7 =	sand.u32 $0x1, s4;
	s30 =	sshll.u32 s1, $0x1  }
0x8: {  	s20 =	simm.s32 $0x4;
	s21 =	simm.s32 $0x0;
	s8 =	sor.u32 s7, s30  }
0x9: {  	[smem:$0x7FF] =	sst s3;
	s7 =	ssub.s32 $0x2, s7;
	s4 =	smul.u32 $0x6400, s8  }
0xa: {  	s5 =	sadd.s32 $0xA00, s6;
	s8 =	smul.u32 $0x190000, s8;
	s9 =	sshrl.u32 s7, $0x1  }
0xb: {  	s6 =	sadd.s32 $0xF42E00, s6;
	_ =	strace $0x80000047;
	s12 =	ssub.s32 s7, s9  }
0xc: {  	s9 =	sadd.s32 $0x1900, s2;
	s10 =	sshrl.u32 s4, $0x3;
	s31 =	sshrl.u32 s8, $0x3  }
0xd: {  	s12 =	smax.u32 s12, $0x1;
	s7 =	sadd.s32 s5, s10;
	s11 =	sadd.s32 s2, s31  }
0xe: {  	s8 =	sadd.s32 $0x64, s7;
	s10 =	sadd.s32 $0x2EE00, s11;
	s11 =	sadd.s32 $0x30700, s11  }
.LBB2_1:
0xf: {  	[tilespmem:s3], [sflag:$0x5] =	stream.linear.gather [hbm4b:s7+s3], $0x320, $0x38;
	[tilespmem:$0x19640] =	vst v63  }
0x10: {  	_ =	swait.ge [sflag:s13], $0x320  }
0x11: {  	[sflag:s13] =	ssyncset.done $0x0  }
0x12: {  	[sflag:s13] =	ssyncadd.s32 $0xFFFFFCE0  }
0x13: {  	[tilespmem:s15], [sflag:$0x1] =	stream.indirect.gather [hbm4b:s6+s14], $0x40, s3, s14, $0xb8;
	[tilespmem:$0x19640] =	vst v63  }
0x14: {  	_ = 	snop  }
0x15: {  	[tilespmem:s14], [sflag:$0x5] =	stream.linear.gather [hbm4b:s8+s3], $0x320, $0x38;
	[tilespmem:$0x19640] =	vst v63  }
0x16: {  	_ =	swait.ge [sflag:s13], $0x320  }
0x17: {  	[sflag:s13] =	ssyncset.done $0x0  }
0x18: {  	s22 =	simm.s32 $0x0;
	[sflag:s13] =	ssyncadd.s32 $0xFFFFFCE0  }
0x19: {  	[tilespmem:s16], [sflag:$0x2] =	stream.indirect.gather [hbm4b:s6+s14], $0x40, s14, s14, $0xb8;
	[tilespmem:$0x19640] =	vst v63  }
.LBB2_2:
0x1a: {  	_ =	swait.ge [sflag:s17], $0xC800  }
0x1b: {  	[sflag:s17] =	ssyncset.done $0x0  }
0x1c: {  	s25 =	simm.s32 $0x0;
	[sflag:s17] =	ssyncadd.s32 $0xFFFF3800  }
0x1d: {  	v0 =	vld [tilespmem:s25+$0x640]  }
0x1e: {  	v1 =	vld [tilespmem:s25+$0x650]  }
0x1f: {  	v2 =	vld [tilespmem:s25+$0x660]  }
0x20: {  	v3 =	vld [tilespmem:s25+$0x670]  }
0x21: {  	v4 =	vld [tilespmem:s25+$0x680]  }
0x22: {  	v5 =	vld [tilespmem:s25+$0x690];
	v0 =	vmul.f32 $8.000000000e+00, v0  }
0x23: {  	v6 =	vld [tilespmem:s25+$0x6A0];
	v1 =	vmul.f32 $8.000000000e+00, v1  }
0x24: {  	v7 =	vld [tilespmem:s25+$0x6B0];
	[tilespmem:s25+$0x640] =	vst v0;
	v0 =	vmul.f32 $8.000000000e+00, v2  }
0x25: {  	v8 =	vld [tilespmem:s25+$0x6C0];
	[tilespmem:s25+$0x650] =	vst v1;
	v1 =	vmul.f32 $8.000000000e+00, v3  }
0x26: {  	v9 =	vld [tilespmem:s25+$0x6D0];
	[tilespmem:s25+$0x660] =	vst v0;
	v0 =	vmul.f32 $8.000000000e+00, v4  }
0x27: {  	v2 =	vmul.f32 $8.000000000e+00, v5;
	[tilespmem:s25+$0x670] =	vst v1;
	v1 =	vld [tilespmem:s25+$0x6E0]  }
0x28: {  	v3 =	vmul.f32 $8.000000000e+00, v6;
	[tilespmem:s25+$0x680] =	vst v0;
	v0 =	vld [tilespmem:s25+$0x6F0]  }
0x29: {  	[tilespmem:s25+$0x690] =	vst v2;
	v2 =	vld [tilespmem:s25+$0x700];
	v4 =	vmul.f32 $8.000000000e+00, v7  }
0x2a: {  	v6 =	vmul.f32 $8.000000000e+00, v8;
	[tilespmem:s25+$0x6A0] =	vst v3;
	v3 =	vld [tilespmem:s25+$0x710]  }
0x2b: {  	s23 =	simm.s32 $0x400;
	v5 =	vmul.f32 $8.000000000e+00, v9;
	[tilespmem:s25+$0x6B0] =	vst v4;
	v4 =	vld [tilespmem:s25+$0x720]  }
.LBB2_3:
0x2c: {  	s24 =	sshra.s32 s23, $0x2;
	p0 =	sne.s32 s23, $0x31C00;
	[tilespmem:s25+$0x6C0] =	vst v6;
	v1 =	vmul.f32 $8.000000000e+00, v1;
	v6 =	vld [tilespmem:s25+$0x730]  }
0x2d: {  	v7 =	vld [tilespmem:s24+$0x640];
	[tilespmem:s25+$0x6D0] =	vst v5;
	v0 =	vmul.f32 $8.000000000e+00, v0  }
0x2e: {  	v5 =	vld [tilespmem:s24+$0x650];
	[tilespmem:s25+$0x6E0] =	vst v1;
	v1 =	vmul.f32 $8.000000000e+00, v2  }
0x2f: {  	v2 =	vld [tilespmem:s24+$0x660];
	[tilespmem:s25+$0x6F0] =	vst v0;
	v0 =	vmul.f32 $8.000000000e+00, v3  }
0x30: {  	v3 =	vld [tilespmem:s24+$0x670];
	[tilespmem:s25+$0x700] =	vst v1;
	v1 =	vmul.f32 $8.000000000e+00, v4  }
0x31: {  	v4 =	vld [tilespmem:s24+$0x680];
	[tilespmem:s25+$0x710] =	vst v0;
	v0 =	vmul.f32 $8.000000000e+00, v6  }
0x32: {  	v6 =	vmul.f32 $8.000000000e+00, v7;
	v7 =	vld [tilespmem:s24+$0x690];
	[tilespmem:s25+$0x720] =	vst v1  }
0x33: {  	v1 =	vmul.f32 $8.000000000e+00, v5;
	v5 =	vld [tilespmem:s24+$0x6A0];
	[tilespmem:s25+$0x730] =	vst v0;
	s25 =	smov.u32 s24  }
0x34: {  	[tilespmem:s25+$0x640] =	vst v6;
	v0 =	vmul.f32 $8.000000000e+00, v2;
	v2 =	vld [tilespmem:s25+$0x6B0]  }
0x35: {  	[tilespmem:s25+$0x650] =	vst v1;
	v1 =	vmul.f32 $8.000000000e+00, v3;
	v3 =	vld [tilespmem:s25+$0x6C0]  }
0x36: {  	[tilespmem:s25+$0x660] =	vst v0;
	v0 =	vmul.f32 $8.000000000e+00, v4;
	v4 =	vld [tilespmem:s25+$0x6D0]  }
.Ltmp0:
0x37: {  	[tilespmem:s25+$0x670] =	vst v1;
	v6 =	vmul.f32 $8.000000000e+00, v7;
	v1 =	vld [tilespmem:s25+$0x6E0];
	(pc) =	sbr.rel @p0 .LBB2_3-.Ltmp0, $4  }
0x38: {  	[tilespmem:s25+$0x680] =	vst v0;
	v5 =	vmul.f32 $8.000000000e+00, v5;
	v0 =	vld [tilespmem:s25+$0x6F0]  }
0x39: {  	[tilespmem:s25+$0x690] =	vst v6;
	v7 =	vmul.f32 $8.000000000e+00, v2;
	v2 =	vld [tilespmem:s25+$0x700]  }
0x3a: {  	[tilespmem:s25+$0x6A0] =	vst v5;
	v6 =	vmul.f32 $8.000000000e+00, v3;
	v3 =	vld [tilespmem:s25+$0x710]  }
0x3b: {  	s23 =	sadd.s32 $0x400, s23;
	[tilespmem:s25+$0x6B0] =	vst v7;
	v5 =	vmul.f32 $8.000000000e+00, v4;
	v4 =	vld [tilespmem:s25+$0x720]  }
0x3c: {  	[tilespmem:s25+$0x6C0] =	vst v6;
	v1 =	vmul.f32 $8.000000000e+00, v1;
	v6 =	vld [tilespmem:s25+$0x730]  }
0x3d: {  	[tilespmem:s25+$0x6D0] =	vst v5;
	v0 =	vmul.f32 $8.000000000e+00, v0  }
0x3e: {  	[tilespmem:s25+$0x6E0] =	vst v1;
	v1 =	vmul.f32 $8.000000000e+00, v2  }
0x3f: {  	s23 =	smul.u32 $0x640, s22;
	[tilespmem:s25+$0x6F0] =	vst v0;
	v0 =	vmul.f32 $8.000000000e+00, v3  }
0x40: {  	[tilespmem:s25+$0x700] =	vst v1;
	v1 =	vmul.f32 $8.000000000e+00, v4  }
0x41: {  	s23 =	sadd.s32 s4, s23;
	[tilespmem:s25+$0x710] =	vst v0;
	v0 =	vmul.f32 $8.000000000e+00, v6  }
0x42: {  	s24 =	sshll.u32 s23, $0x3;
	[tilespmem:s25+$0x720] =	vst v1  }
0x43: {  	s26 =	simm.s32 $0x0;
	s31 =	sadd.s32 s2, s24;
	[tilespmem:s25+$0x730] =	vst v0  }
0x44: {  	[hbm4b:s31+s26] =	stream.linear.scatter [tilespmem:s15], [sflag:$0x3], $0xC800, $0x38;
	[tilespmem:$0x19640] =	vst v63  }
0x45: {  	_ =	swait.ge [sflag:s18], $0xC800  }
0x46: {  	[sflag:s18] =	ssyncset.done $0x0  }
0x47: {  	s25 =	simm.s32 $0x0;
	[sflag:s18] =	ssyncadd.s32 $0xFFFF3800  }
0x48: {  	v0 =	vld [tilespmem:s25+$0xCE40]  }
0x49: {  	v1 =	vld [tilespmem:s25+$0xCE50]  }
0x4a: {  	v2 =	vld [tilespmem:s25+$0xCE60]  }
0x4b: {  	v3 =	vld [tilespmem:s25+$0xCE70]  }
0x4c: {  	v4 =	vld [tilespmem:s25+$0xCE80]  }
0x4d: {  	v5 =	vld [tilespmem:s25+$0xCE90];
	v0 =	vmul.f32 $8.000000000e+00, v0  }
0x4e: {  	v6 =	vld [tilespmem:s25+$0xCEA0];
	v1 =	vmul.f32 $8.000000000e+00, v1  }
0x4f: {  	v7 =	vld [tilespmem:s25+$0xCEB0];
	[tilespmem:s25+$0xCE40] =	vst v0;
	v0 =	vmul.f32 $8.000000000e+00, v2  }
0x50: {  	v8 =	vld [tilespmem:s25+$0xCEC0];
	[tilespmem:s25+$0xCE50] =	vst v1;
	v1 =	vmul.f32 $8.000000000e+00, v3  }
0x51: {  	v9 =	vld [tilespmem:s25+$0xCED0];
	[tilespmem:s25+$0xCE60] =	vst v0;
	v0 =	vmul.f32 $8.000000000e+00, v4  }
0x52: {  	v2 =	vmul.f32 $8.000000000e+00, v5;
	[tilespmem:s25+$0xCE70] =	vst v1;
	v1 =	vld [tilespmem:s25+$0xCEE0]  }
0x53: {  	v3 =	vmul.f32 $8.000000000e+00, v6;
	[tilespmem:s25+$0xCE80] =	vst v0;
	v0 =	vld [tilespmem:s25+$0xCEF0]  }
0x54: {  	[tilespmem:s25+$0xCE90] =	vst v2;
	v2 =	vld [tilespmem:s25+$0xCF00];
	v4 =	vmul.f32 $8.000000000e+00, v7  }
0x55: {  	v6 =	vmul.f32 $8.000000000e+00, v8;
	[tilespmem:s25+$0xCEA0] =	vst v3;
	v3 =	vld [tilespmem:s25+$0xCF10]  }
0x56: {  	s26 =	simm.s32 $0x400;
	v5 =	vmul.f32 $8.000000000e+00, v9;
	[tilespmem:s25+$0xCEB0] =	vst v4;
	v4 =	vld [tilespmem:s25+$0xCF20]  }
.LBB2_5:
0x57: {  	s28 =	sshra.s32 s26, $0x2;
	p0 =	sne.s32 s26, $0x31C00;
	[tilespmem:s25+$0xCEC0] =	vst v6;
	v1 =	vmul.f32 $8.000000000e+00, v1;
	v6 =	vld [tilespmem:s25+$0xCF30]  }
0x58: {  	v7 =	vld [tilespmem:s28+$0xCE40];
	[tilespmem:s25+$0xCED0] =	vst v5;
	v0 =	vmul.f32 $8.000000000e+00, v0  }
0x59: {  	v5 =	vld [tilespmem:s28+$0xCE50];
	[tilespmem:s25+$0xCEE0] =	vst v1;
	v1 =	vmul.f32 $8.000000000e+00, v2  }
0x5a: {  	v2 =	vld [tilespmem:s28+$0xCE60];
	[tilespmem:s25+$0xCEF0] =	vst v0;
	v0 =	vmul.f32 $8.000000000e+00, v3  }
0x5b: {  	v3 =	vld [tilespmem:s28+$0xCE70];
	[tilespmem:s25+$0xCF00] =	vst v1;
	v1 =	vmul.f32 $8.000000000e+00, v4  }
0x5c: {  	v4 =	vld [tilespmem:s28+$0xCE80];
	[tilespmem:s25+$0xCF10] =	vst v0;
	v0 =	vmul.f32 $8.000000000e+00, v6  }
0x5d: {  	v6 =	vmul.f32 $8.000000000e+00, v7;
	v7 =	vld [tilespmem:s28+$0xCE90];
	[tilespmem:s25+$0xCF20] =	vst v1  }
0x5e: {  	v1 =	vmul.f32 $8.000000000e+00, v5;
	v5 =	vld [tilespmem:s28+$0xCEA0];
	[tilespmem:s25+$0xCF30] =	vst v0;
	s25 =	smov.u32 s28  }
0x5f: {  	[tilespmem:s25+$0xCE40] =	vst v6;
	v0 =	vmul.f32 $8.000000000e+00, v2;
	v2 =	vld [tilespmem:s25+$0xCEB0]  }
0x60: {  	[tilespmem:s25+$0xCE50] =	vst v1;
	v1 =	vmul.f32 $8.000000000e+00, v3;
	v3 =	vld [tilespmem:s25+$0xCEC0]  }
0x61: {  	[tilespmem:s25+$0xCE60] =	vst v0;
	v0 =	vmul.f32 $8.000000000e+00, v4;
	v4 =	vld [tilespmem:s25+$0xCED0]  }
.Ltmp1:
0x62: {  	[tilespmem:s25+$0xCE70] =	vst v1;
	v6 =	vmul.f32 $8.000000000e+00, v7;
	v1 =	vld [tilespmem:s25+$0xCEE0];
	(pc) =	sbr.rel @p0 .LBB2_5-.Ltmp1, $4  }
0x63: {  	[tilespmem:s25+$0xCE80] =	vst v0;
	v5 =	vmul.f32 $8.000000000e+00, v5;
	v0 =	vld [tilespmem:s25+$0xCEF0]  }
0x64: {  	[tilespmem:s25+$0xCE90] =	vst v6;
	v7 =	vmul.f32 $8.000000000e+00, v2;
	v2 =	vld [tilespmem:s25+$0xCF00]  }
0x65: {  	[tilespmem:s25+$0xCEA0] =	vst v5;
	v6 =	vmul.f32 $8.000000000e+00, v3;
	v3 =	vld [tilespmem:s25+$0xCF10]  }
0x66: {  	s26 =	sadd.s32 $0x400, s26;
	[tilespmem:s25+$0xCEB0] =	vst v7;
	v5 =	vmul.f32 $8.000000000e+00, v4;
	v4 =	vld [tilespmem:s25+$0xCF20]  }
0x67: {  	[tilespmem:s25+$0xCEC0] =	vst v6;
	v1 =	vmul.f32 $8.000000000e+00, v1;
	v59 =	vld [tilespmem:s25+$0xCF30]  }
0x68: {  	[tilespmem:s25+$0xCED0] =	vst v5;
	v0 =	vmul.f32 $8.000000000e+00, v0  }
0x69: {  	[tilespmem:s25+$0xCEE0] =	vst v1;
	v60 =	vmul.f32 $8.000000000e+00, v2  }
0x6a: {  	[tilespmem:s25+$0xCEF0] =	vst v0;
	v61 =	vmul.f32 $8.000000000e+00, v3  }
0x6b: {  	[tilespmem:s25+$0xCF00] =	vst v60;
	v62 =	vmul.f32 $8.000000000e+00, v4  }
0x6c: {  	[tilespmem:s25+$0xCF10] =	vst v61;
	v63 =	vmul.f32 $8.000000000e+00, v59  }
0x6d: {  	[tilespmem:s25+$0xCF20] =	vst v62  }
0x6e: {  	s24 =	sadd.s32 s24, s9;
	[tilespmem:s25+$0xCF30] =	vst v63  }
0x6f: {  	[hbm4b:s24+s3] =	stream.linear.scatter [tilespmem:s16], [sflag:$0x4], $0xC800, $0x38;
	[tilespmem:$0x19640] =	vst v63  }
0x70: {  	s23 =	sshrl.u32 s23, $0x3;
	_ =	swait.ge [sflag:s19], $0xC800  }
0x71: {  	s23 =	sadd.s32 s5, s23;
	[sflag:s19] =	ssyncset.done $0x0  }
0x72: {  	s31 =	sadd.s32 $0xC8, s23;
	[sflag:s19] =	ssyncadd.s32 $0xFFFF3800  }
0x73: {  	[tilespmem:s3], [sflag:$0x5] =	stream.linear.gather [hbm4b:s31+s3], $0x320, $0x38;
	[tilespmem:$0x19640] =	vst v63  }
0x74: {  	_ =	swait.ge [sflag:s13], $0x320  }
0x75: {  	[sflag:s13] =	ssyncset.done $0x0  }
0x76: {  	[sflag:s13] =	ssyncadd.s32 $0xFFFFFCE0  }
0x77: {  	[tilespmem:s15], [sflag:$0x1] =	stream.indirect.gather [hbm4b:s6+s14], $0x40, s3, s14, $0xb8;
	[tilespmem:$0x19640] =	vst v63  }
0x78: {  	_ =	swait.ge [sflag:s20], $0xC800  }
0x79: {  	s22 =	sadd.s32 $0x1, s22;
	[sflag:s20] =	ssyncset.done $0x0  }
0x7a: {  	p0 =	sne.s32 s22, $0xF;
	s23 =	sadd.s32 $0x12C, s23;
	[sflag:s20] =	ssyncadd.s32 $0xFFFF3800  }
0x7b: {  	[tilespmem:s14], [sflag:$0x5] =	stream.linear.gather [hbm4b:s23+s3], $0x320, $0x38;
	[tilespmem:$0x19640] =	vst v63  }
.Ltmp2:
0x7c: {  	_ = 	snop;
	(pc) =	sbr.rel @p0 .LBB2_2-.Ltmp2, $4  }
0x7d: {  	_ =	swait.ge [sflag:s13], $0x320  }
0x7e: {  	[sflag:s13] =	ssyncset.done $0x0  }
0x7f: {  	[sflag:s13] =	ssyncadd.s32 $0xFFFFFCE0  }
0x80: {  	[tilespmem:s16], [sflag:$0x2] =	stream.indirect.gather [hbm4b:s6+s14], $0x40, s14, s14, $0xb8;
	[tilespmem:$0x19640] =	vst v63  }
0x81: {  	_ =	swait.ge [sflag:s17], $0xC800  }
0x82: {  	[sflag:s17] =	ssyncset.done $0x0  }
0x83: {  	s22 =	simm.s32 $0x0;
	[sflag:s17] =	ssyncadd.s32 $0xFFFF3800  }
0x84: {  	v0 =	vld [tilespmem:s22+$0x640]  }
0x85: {  	v1 =	vld [tilespmem:s22+$0x650]  }
0x86: {  	v2 =	vld [tilespmem:s22+$0x660]  }
0x87: {  	v3 =	vld [tilespmem:s22+$0x670]  }
0x88: {  	v4 =	vld [tilespmem:s22+$0x680]  }
0x89: {  	v5 =	vld [tilespmem:s22+$0x690];
	v0 =	vmul.f32 $8.000000000e+00, v0  }
0x8a: {  	v6 =	vld [tilespmem:s22+$0x6A0];
	v1 =	vmul.f32 $8.000000000e+00, v1  }
0x8b: {  	v7 =	vld [tilespmem:s22+$0x6B0];
	[tilespmem:s22+$0x640] =	vst v0;
	v0 =	vmul.f32 $8.000000000e+00, v2  }
0x8c: {  	v8 =	vld [tilespmem:s22+$0x6C0];
	[tilespmem:s22+$0x650] =	vst v1;
	v1 =	vmul.f32 $8.000000000e+00, v3  }
0x8d: {  	v9 =	vld [tilespmem:s22+$0x6D0];
	[tilespmem:s22+$0x660] =	vst v0;
	v0 =	vmul.f32 $8.000000000e+00, v4  }
0x8e: {  	v2 =	vmul.f32 $8.000000000e+00, v5;
	[tilespmem:s22+$0x670] =	vst v1;
	v1 =	vld [tilespmem:s22+$0x6E0]  }
0x8f: {  	v3 =	vmul.f32 $8.000000000e+00, v6;
	[tilespmem:s22+$0x680] =	vst v0;
	v0 =	vld [tilespmem:s22+$0x6F0]  }
0x90: {  	[tilespmem:s22+$0x690] =	vst v2;
	v2 =	vld [tilespmem:s22+$0x700];
	v4 =	vmul.f32 $8.000000000e+00, v7  }
0x91: {  	v6 =	vmul.f32 $8.000000000e+00, v8;
	[tilespmem:s22+$0x6A0] =	vst v3;
	v3 =	vld [tilespmem:s22+$0x710]  }
0x92: {  	s23 =	simm.s32 $0x400;
	v5 =	vmul.f32 $8.000000000e+00, v9;
	[tilespmem:s22+$0x6B0] =	vst v4;
	v4 =	vld [tilespmem:s22+$0x720]  }
.LBB2_8:
0x93: {  	s24 =	sshra.s32 s23, $0x2;
	p0 =	sne.s32 s23, $0x31C00;
	[tilespmem:s22+$0x6C0] =	vst v6;
	v1 =	vmul.f32 $8.000000000e+00, v1;
	v6 =	vld [tilespmem:s22+$0x730]  }
0x94: {  	v7 =	vld [tilespmem:s24+$0x640];
	[tilespmem:s22+$0x6D0] =	vst v5;
	v0 =	vmul.f32 $8.000000000e+00, v0  }
0x95: {  	v5 =	vld [tilespmem:s24+$0x650];
	[tilespmem:s22+$0x6E0] =	vst v1;
	v1 =	vmul.f32 $8.000000000e+00, v2  }
0x96: {  	v2 =	vld [tilespmem:s24+$0x660];
	[tilespmem:s22+$0x6F0] =	vst v0;
	v0 =	vmul.f32 $8.000000000e+00, v3  }
0x97: {  	v3 =	vld [tilespmem:s24+$0x670];
	[tilespmem:s22+$0x700] =	vst v1;
	v1 =	vmul.f32 $8.000000000e+00, v4  }
0x98: {  	v4 =	vld [tilespmem:s24+$0x680];
	[tilespmem:s22+$0x710] =	vst v0;
	v0 =	vmul.f32 $8.000000000e+00, v6  }
0x99: {  	v6 =	vmul.f32 $8.000000000e+00, v7;
	v7 =	vld [tilespmem:s24+$0x690];
	[tilespmem:s22+$0x720] =	vst v1  }
0x9a: {  	v1 =	vmul.f32 $8.000000000e+00, v5;
	v5 =	vld [tilespmem:s24+$0x6A0];
	[tilespmem:s22+$0x730] =	vst v0;
	s22 =	smov.u32 s24  }
0x9b: {  	[tilespmem:s22+$0x640] =	vst v6;
	v0 =	vmul.f32 $8.000000000e+00, v2;
	v2 =	vld [tilespmem:s22+$0x6B0]  }
0x9c: {  	[tilespmem:s22+$0x650] =	vst v1;
	v1 =	vmul.f32 $8.000000000e+00, v3;
	v3 =	vld [tilespmem:s22+$0x6C0]  }
0x9d: {  	[tilespmem:s22+$0x660] =	vst v0;
	v0 =	vmul.f32 $8.000000000e+00, v4;
	v4 =	vld [tilespmem:s22+$0x6D0]  }
.Ltmp3:
0x9e: {  	[tilespmem:s22+$0x670] =	vst v1;
	v6 =	vmul.f32 $8.000000000e+00, v7;
	v1 =	vld [tilespmem:s22+$0x6E0];
	(pc) =	sbr.rel @p0 .LBB2_8-.Ltmp3, $4  }
0x9f: {  	[tilespmem:s22+$0x680] =	vst v0;
	v5 =	vmul.f32 $8.000000000e+00, v5;
	v0 =	vld [tilespmem:s22+$0x6F0]  }
0xa0: {  	[tilespmem:s22+$0x690] =	vst v6;
	v7 =	vmul.f32 $8.000000000e+00, v2;
	v2 =	vld [tilespmem:s22+$0x700]  }
0xa1: {  	[tilespmem:s22+$0x6A0] =	vst v5;
	v6 =	vmul.f32 $8.000000000e+00, v3;
	v3 =	vld [tilespmem:s22+$0x710]  }
0xa2: {  	s23 =	sadd.s32 $0x400, s23;
	[tilespmem:s22+$0x6B0] =	vst v7;
	v5 =	vmul.f32 $8.000000000e+00, v4;
	v4 =	vld [tilespmem:s22+$0x720]  }
0xa3: {  	[tilespmem:s22+$0x6C0] =	vst v6;
	v1 =	vmul.f32 $8.000000000e+00, v1;
	v6 =	vld [tilespmem:s22+$0x730]  }
0xa4: {  	[tilespmem:s22+$0x6D0] =	vst v5;
	v0 =	vmul.f32 $8.000000000e+00, v0  }
0xa5: {  	[tilespmem:s22+$0x6E0] =	vst v1;
	v1 =	vmul.f32 $8.000000000e+00, v2  }
0xa6: {  	[tilespmem:s22+$0x6F0] =	vst v0;
	v0 =	vmul.f32 $8.000000000e+00, v3  }
0xa7: {  	[tilespmem:s22+$0x700] =	vst v1;
	v1 =	vmul.f32 $8.000000000e+00, v4  }
0xa8: {  	[tilespmem:s22+$0x710] =	vst v0;
	v0 =	vmul.f32 $8.000000000e+00, v6  }
0xa9: {  	[tilespmem:s22+$0x720] =	vst v1  }
0xaa: {  	s31 =	simm.s32 $0x0;
	[tilespmem:s22+$0x730] =	vst v0  }
0xab: {  	[hbm4b:s10+s31] =	stream.linear.scatter [tilespmem:s15], [sflag:$0x3], $0xC800, $0x38;
	[tilespmem:$0x19640] =	vst v63  }
0xac: {  	_ =	swait.ge [sflag:s18], $0xC800  }
0xad: {  	[sflag:s18] =	ssyncset.done $0x0  }
0xae: {  	s22 =	simm.s32 $0x0;
	[sflag:s18] =	ssyncadd.s32 $0xFFFF3800  }
0xaf: {  	v0 =	vld [tilespmem:s22+$0xCE40]  }
0xb0: {  	v1 =	vld [tilespmem:s22+$0xCE50]  }
0xb1: {  	v2 =	vld [tilespmem:s22+$0xCE60]  }
0xb2: {  	v3 =	vld [tilespmem:s22+$0xCE70]  }
0xb3: {  	v4 =	vld [tilespmem:s22+$0xCE80]  }
0xb4: {  	v5 =	vld [tilespmem:s22+$0xCE90];
	v0 =	vmul.f32 $8.000000000e+00, v0  }
0xb5: {  	v6 =	vld [tilespmem:s22+$0xCEA0];
	v1 =	vmul.f32 $8.000000000e+00, v1  }
0xb6: {  	v7 =	vld [tilespmem:s22+$0xCEB0];
	[tilespmem:s22+$0xCE40] =	vst v0;
	v0 =	vmul.f32 $8.000000000e+00, v2  }
0xb7: {  	v8 =	vld [tilespmem:s22+$0xCEC0];
	[tilespmem:s22+$0xCE50] =	vst v1;
	v1 =	vmul.f32 $8.000000000e+00, v3  }
0xb8: {  	v9 =	vld [tilespmem:s22+$0xCED0];
	[tilespmem:s22+$0xCE60] =	vst v0;
	v0 =	vmul.f32 $8.000000000e+00, v4  }
0xb9: {  	v2 =	vmul.f32 $8.000000000e+00, v5;
	[tilespmem:s22+$0xCE70] =	vst v1;
	v1 =	vld [tilespmem:s22+$0xCEE0]  }
0xba: {  	v3 =	vmul.f32 $8.000000000e+00, v6;
	[tilespmem:s22+$0xCE80] =	vst v0;
	v0 =	vld [tilespmem:s22+$0xCEF0]  }
0xbb: {  	[tilespmem:s22+$0xCE90] =	vst v2;
	v2 =	vld [tilespmem:s22+$0xCF00];
	v4 =	vmul.f32 $8.000000000e+00, v7  }
0xbc: {  	v6 =	vmul.f32 $8.000000000e+00, v8;
	[tilespmem:s22+$0xCEA0] =	vst v3;
	v3 =	vld [tilespmem:s22+$0xCF10]  }
0xbd: {  	s23 =	simm.s32 $0x400;
	v5 =	vmul.f32 $8.000000000e+00, v9;
	[tilespmem:s22+$0xCEB0] =	vst v4;
	v4 =	vld [tilespmem:s22+$0xCF20]  }
.LBB2_10:
0xbe: {  	s24 =	sshra.s32 s23, $0x2;
	p0 =	sne.s32 s23, $0x31C00;
	[tilespmem:s22+$0xCEC0] =	vst v6;
	v1 =	vmul.f32 $8.000000000e+00, v1;
	v6 =	vld [tilespmem:s22+$0xCF30]  }
0xbf: {  	v7 =	vld [tilespmem:s24+$0xCE40];
	[tilespmem:s22+$0xCED0] =	vst v5;
	v0 =	vmul.f32 $8.000000000e+00, v0  }
0xc0: {  	v5 =	vld [tilespmem:s24+$0xCE50];
	[tilespmem:s22+$0xCEE0] =	vst v1;
	v1 =	vmul.f32 $8.000000000e+00, v2  }
0xc1: {  	v2 =	vld [tilespmem:s24+$0xCE60];
	[tilespmem:s22+$0xCEF0] =	vst v0;
	v0 =	vmul.f32 $8.000000000e+00, v3  }
0xc2: {  	v3 =	vld [tilespmem:s24+$0xCE70];
	[tilespmem:s22+$0xCF00] =	vst v1;
	v1 =	vmul.f32 $8.000000000e+00, v4  }
0xc3: {  	v4 =	vld [tilespmem:s24+$0xCE80];
	[tilespmem:s22+$0xCF10] =	vst v0;
	v0 =	vmul.f32 $8.000000000e+00, v6  }
0xc4: {  	v6 =	vmul.f32 $8.000000000e+00, v7;
	v7 =	vld [tilespmem:s24+$0xCE90];
	[tilespmem:s22+$0xCF20] =	vst v1  }
0xc5: {  	v1 =	vmul.f32 $8.000000000e+00, v5;
	v5 =	vld [tilespmem:s24+$0xCEA0];
	[tilespmem:s22+$0xCF30] =	vst v0;
	s22 =	smov.u32 s24  }
0xc6: {  	[tilespmem:s22+$0xCE40] =	vst v6;
	v0 =	vmul.f32 $8.000000000e+00, v2;
	v2 =	vld [tilespmem:s22+$0xCEB0]  }
0xc7: {  	[tilespmem:s22+$0xCE50] =	vst v1;
	v1 =	vmul.f32 $8.000000000e+00, v3;
	v3 =	vld [tilespmem:s22+$0xCEC0]  }
0xc8: {  	[tilespmem:s22+$0xCE60] =	vst v0;
	v0 =	vmul.f32 $8.000000000e+00, v4;
	v4 =	vld [tilespmem:s22+$0xCED0]  }
.Ltmp4:
0xc9: {  	[tilespmem:s22+$0xCE70] =	vst v1;
	v6 =	vmul.f32 $8.000000000e+00, v7;
	v1 =	vld [tilespmem:s22+$0xCEE0];
	(pc) =	sbr.rel @p0 .LBB2_10-.Ltmp4, $4  }
0xca: {  	[tilespmem:s22+$0xCE80] =	vst v0;
	v5 =	vmul.f32 $8.000000000e+00, v5;
	v0 =	vld [tilespmem:s22+$0xCEF0]  }
0xcb: {  	[tilespmem:s22+$0xCE90] =	vst v6;
	v7 =	vmul.f32 $8.000000000e+00, v2;
	v2 =	vld [tilespmem:s22+$0xCF00]  }
0xcc: {  	[tilespmem:s22+$0xCEA0] =	vst v5;
	v6 =	vmul.f32 $8.000000000e+00, v3;
	v3 =	vld [tilespmem:s22+$0xCF10]  }
0xcd: {  	s23 =	sadd.s32 $0x400, s23;
	[tilespmem:s22+$0xCEB0] =	vst v7;
	v5 =	vmul.f32 $8.000000000e+00, v4;
	v4 =	vld [tilespmem:s22+$0xCF20]  }
0xce: {  	[tilespmem:s22+$0xCEC0] =	vst v6;
	v1 =	vmul.f32 $8.000000000e+00, v1;
	v59 =	vld [tilespmem:s22+$0xCF30]  }
0xcf: {  	[tilespmem:s22+$0xCED0] =	vst v5;
	v0 =	vmul.f32 $8.000000000e+00, v0  }
0xd0: {  	[tilespmem:s22+$0xCEE0] =	vst v1;
	v60 =	vmul.f32 $8.000000000e+00, v2  }
0xd1: {  	[tilespmem:s22+$0xCEF0] =	vst v0;
	v61 =	vmul.f32 $8.000000000e+00, v3  }
0xd2: {  	[tilespmem:s22+$0xCF00] =	vst v60;
	v62 =	vmul.f32 $8.000000000e+00, v4  }
0xd3: {  	[tilespmem:s22+$0xCF10] =	vst v61;
	v63 =	vmul.f32 $8.000000000e+00, v59  }
0xd4: {  	[tilespmem:s22+$0xCF20] =	vst v62  }
0xd5: {  	s21 =	sadd.s32 $0x1, s21;
	[tilespmem:s22+$0xCF30] =	vst v63  }
0xd6: {  	[hbm4b:s11+s3] =	stream.linear.scatter [tilespmem:s16], [sflag:$0x4], $0xC800, $0x38;
	[tilespmem:$0x19640] =	vst v63  }
0xd7: {  	p0 =	sne.s32 s21, s12;
	_ =	swait.ge [sflag:s19], $0xC800  }
.Ltmp5:
0xd8: {  	[sflag:s19] =	ssyncset.done $0x0;
	(pc) =	sbr.rel @p0 .LBB2_1-.Ltmp5, $4  }
0xd9: {  	[sflag:s19] =	ssyncadd.s32 $0xFFFF3800  }
0xda: {  	_ =	swait.ge [sflag:s20], $0xC800  }
0xdb: {  	[sflag:s20] =	ssyncset.done $0x0  }
0xdc: {  	[sflag:s20] =	ssyncadd.s32 $0xFFFF3800  }
0xdd: {  	_ =	sfence.sel $0x180000  }
0xde: {  	[bflag:$0x0] =	sbarrier.arrive $0xFFFF  }
0xdf: {  	p0 =	sne.s32 s1, $0x0;
	_ =	strace $0x90000047  }
0xe0: {  	s0 =	sadd.s32 @!p0 $0x100000, s0;
	[bflag:$0x2] =	sbarrier.arrive $0xFFFF  }
0xe1: {  	[sflag:s0] =	ssyncadd.tile.s32 @!p0 $0x1;
	_ =	shalt  }
.Lfunc_end2:
_tile_overlayer_lowered:
.L_overlay_start_2:
0xe2: {  	(tag) =	ssettag $0x2  }
0xe3: {  	s0 =	rddreg [dreg:$0x0];
	s2 =	stileid.u32  }
0xe4: {  	s1 =	rddreg [dreg:$0x1];
	p0 =	sne.s32 s2, $0x0  }
0xe5: {  	s3 =	rddreg [dreg:$0x2];
	[bflag:$0x3] =	sbarrier.arrive $0xFFFF;
	s2 =	simm.s32 @!p0 $0x1C05  }
0xe6: {  	[timem:s3], [sflag:s2] =	dma.local @!p0 [hbm:s0], s1  }
0xe7: {  	s0 =	simm.s32 @!p0 $0x5  }
0xe8: {  	_ =	swait.ge @!p0 [sflag:s0], s1  }
0xe9: {  	s1 =	ssub.s32 @!p0 $0x0, s1;
	[sflag:s0] =	ssyncset.done @!p0 $0x0  }
0xea: {  	[sflag:s0] =	ssyncadd.s32 @!p0 s1  }
0xeb: {  	[bflag:$0x3] =	sbarrier.arrive $0xFFFF  }
0xec: {  	_ =	shalt  }

// kernel: sparse-core-data-format-call.cloned.1.call-start
scs
called_computation_lowered:
.L_overlay_start_0:
0x0: {  	s2 =	sld [smem:$0x3FD9]  }
0x1: {  	s3 =	sld [smem:$0x3FFE];
	_ =	sdelay $0x1  }
0x2: {  	s1 =	srdreg.scid  }
0x3: {  	s0 =	sand.u32 $0x1, s1  }
0x4: {  	s18 =	sshll.u32 s0, $0xA;
	s2 =	sadd.s32 s3, s2  }
0x5: {  	s2 =	sadd.s32 s2, s18  }
0x6: {  	[smem:$0x3FC6] =	sst s2  }
0x7: {  	_ = 	snop  }
0x8: {  	s2 =	sld [smem:$0x3FD0];
	(tm) =	ssettm $0x1  }
0x9: {  	s19 =	sld [smem:$0x3FFB];
	_ =	sdelay $0x3  }
0xa: {  	_ =	strace s19  }
0xb: {  	s3 =	sld [smem:$0x3FFC];
	_ =	sdelay $0x3  }
0xc: {  	_ =	strace s3  }
0xd: {  	s3 =	sld [smem:$0x3FFD];
	_ =	sdelay $0x3  }
0xe: {  	_ =	strace s3  }
0xf: {  	_ =	strace $0x8FFFFFFF  }
0x10: {  	s20 =	sld [smem:$0x3FDB];
	_ =	sdelay $0x1  }
0x11: {  	s4 =	simm.s32 $_scs_section_size  }
0x12: {  	s5 =	simm.s32 $_size__tile_overlayer_lowered;
	s6 =	simm.s32 $_tile_overlayer_lowered  }
0x13: {  	s23 =	simm.s32 $0x1BFF;
	s22 =	sshll.u32 s6, $0x1;
	s3 =	sadd.s32 s4, s20  }
0x14: {  	s7 =	simm.s32 $0x0;
	s21 =	sshll.u32 s5, $0x1;
	s5 =	sadd.s32 s22, s3  }
0x15: {  	[timem:s7], [sflag:s23] =	dma.local [hbm:s5], s21  }
0x16: {  	_ =	swait.ge [sflag:s23], s21  }
0x17: {  	s4 =	ssub.s32 $0x0, s21;
	[sflag:s23] =	ssyncset.done $0x0  }
0x18: {  	[sflag:s23] =	ssyncadd.s32 s4;
	_ =	sdelay $0x1  }
0x19: {  	s24 =	simm.s32 $0x1B8B  }
0x1a: {  	_ =	swait.ge [sflag:s24], $0x1  }
0x1b: {  	[sflag:s24] =	ssyncset.done $0x0  }
0x1c: {  	s26 =	simm.s32 $0x1B8E;
	s25 =	sld [smem:$0x3FFE];
	[sflag:s24] =	ssyncadd.s32 $0xFFFFFFFF  }
0x1d: {  	s27 =	simm.s32 $execute0_lowered;
	[smem:$0x3FD2] =	sst s26  }
0x1e: {  	s5 =	sshll.u32 s27, $0x1;
	_ =	strace $0x80000049;
	[dreg:$0x1] =	wrdreg $0xFFFFFFFF  }
0x1f: {  	s28 =	simm.s32 $_size_execute0_lowered;
	s3 =	sadd.s32 s3, s5;
	[dreg:$0x0] =	wrdreg $0x0  }
0x20: {  	s5 =	sshll.u32 s28, $0x1;
	[dreg:$0x2] =	wrdreg s3  }
0x21: {  	[dreg:$0x3] =	wrdreg s5  }
0x22: {  	[dreg:$0x4] =	wrdreg $0xC0  }
0x23: {  	_ =	task [dreg:s7], $0x5FFFF  }
0x24: {  	[dreg:$0x1] =	wrdreg $0xFFFFFFFF  }
0x25: {  	[dreg:$0x0] =	wrdreg $0x60  }
0x26: {  	[dreg:$0x2] =	wrdreg s25  }
0x27: {  	[dreg:$0x3] =	wrdreg s2  }
0x28: {  	[dreg:$0x4] =	wrdreg $0x9  }
0x29: {  	_ =	task.clear_ibuf [dreg:s7], $0x5FFFF;
	_ =	strace $0x90000049  }
0x2a: {  	s29 =	simm.s32 $0x9;
	_ =	strace $0x8000004B  }
0x2b: {  	_ =	swait.ge [sflag:s29], $0x1  }
0x2c: {  	[sflag:s29] =	ssyncadd.s32 $0xFFFFFFFF  }
0x2d: {  	_ =	strace $0x9000004B  }
0x2e: {  	_ =	sfence  }
0x2f: {  	s30 =	sld [smem:$0x0];
	_ =	sdelay $0x2  }
0x30: {  	s31 =	sshll.u32 s1, $0xD;
	s1 =	sshrl.u32 s1, $0x2  }
0x31: {  	s3 =	sand.u32 $0x4000, s31;
	s1 =	sadd.s32 s1, s30  }
0x32: {  	s0 =	sor.u32 s3, s0;
	s1 =	sshll.u32 s1, $0x11  }
0x33: {  	s0 =	sor.u32 s1, s0  }
0x34: {  	s0 =	sadd.s32 $0x8F2B, s0  }
0x35: {  	[sflag:s0] =	ssyncadd.remote.s32 $0x1  }
0x36: {  	_ =	sfence.sel $0xFFFF  }
0x37: {  	[dreg:$0x0] =	wrdreg $0xFFFFFFFF;
	(pc) =	sbr.abs _section_cstart, $3  }
0x38: {  	[dreg:$0x1] =	wrdreg $0xFFFFFFFF  }
0x39: {  	_ =	task.clear_ibuf [dreg:s7], $0x2FFFF;
	_ =	strace $0x9FFFFFFF  }
0x3a: {  	(tm) =	ssettm $0x7FFFFFFF  }
0x3b: {  	_ =	shalt  }
tec
execute0_lowered:
.L_overlay_start_1:
0x0: {  	(tag) =	ssettag $0x1  }
0x1: {  	s0 =	srdreg.scid  }
0x2: {  	s1 =	sshll.u32 s0, $0x4  }
0x3: {  	s0 =	stileid.u32;
	s1 =	sand.u32 $0x10, s1  }
0x4: {  	s1 =	sor.u32 s0, s1  }
0x5: {  	s6 =	rddreg [dreg:$0x0];
	s4 =	simm.s32 $0x1;
	s2 =	sshll.u32 s1, $0x7  }
0x6: {  	s7 =	simm.s32 $0x2;
	s12 =	simm.s32 $0x0;
	s1 =	ssub.s32 $0x1000, s2  }
0x7: {  	s8 =	simm.s32 $0x8000;
	s13 =	simm.s32 $0x0;
	s3 =	sand.u32 $0xF80, s1  }
0x8: {  	s9 =	simm.s32 $0x0;
	s5 =	sshrl.u32 s1, $0xC;
	p0 =	sne.s32 s3, $0x0  }
.Ltmp0:
0x9: {  	s1 =	rddreg [dreg:$0x2];
	s4 =	simm.s32 @!p0 $0x0;
	(pc) =	sbr.rel .LBB1_1-.Ltmp0, $4  }
0xa: {  	s11 =	simm.s32 $0x0;
	s3 =	rddreg [dreg:$0x1];
	s5 =	sadd.s32 s4, s5  }
0xb: {  	_ =	strace $0x8000004A;
	s4 =	simm.s32 $0x1;
	s5 =	smul.u32 $0xC8, s5  }
0xc: {  	s6 =	sadd.s32 $0xA00, s6;
	s10 =	smov.u32 s2;
	[sflag:s4] =	ssyncpa.u1 $0x0  }
0xd: {  	p0 =	por $0x0, $0x0;
	[sflag:s7] =	ssyncpa.u1 $0x0;
	s7 =	sor.u32 $0x1, s5  }
.LBB1_4:
0xe: {  	s16 =	sshll.u32 s13, $0x3;
	s17 =	sand.u32 $0x78, s13  }
0xf: {  	s30 =	sand.u32 $0x7E00, s13;
	s12 =	sshll.u32 s12, $0xF;
	s16 =	sand.u32 $0xC00, s16  }
0x10: {  	[tilespmem:s15+$0x810 ss:$0x81] =	vst.msk $0xffff, v2;
	s31 =	sand.u32 $0x7, s13;
	s16 =	sor.u32 s17, s16;
	s17 =	sadd.s32 s3, s30  }
0x11: {  	[tilespmem:s15+$0x1020 ss:$0x81] =	vst.msk $0xffff, v0;
	s13 =	sshll.u32 s31, $0x12;
	s12 =	sadd.s32 s12, s17;
	s16 =	sshrl.u32 s16, $0x3  }
0x12: {  	[tilespmem:s15+$0x0 ss:$0x81] =	vst.msk $0xffff, v1;
	s13 =	sor.u32 $0x400, s13;
	s12 =	sadd.s32 s16, s12  }
0x13: {  	[hbm4b:s12+s13] =	stream.strided.scatter [tilespmem:s14], [sflag:$0x2], $0x2000, s8, s13, $0x20;
	[tilespmem:$0x8080] =	vst v63  }
.LBB1_5:
0x14: {  	s14 =	sadd.s32 $0x1, s9  }
0x15: {  	s12 =	sadd.s32 $0x1000, s10;
	s16 =	smov.u32 s10;
	p2 =	sgt.s32 s14, $0xC7  }
0x16: {  	s16 =	smov.u32 @p2 s12  }
0x17: {  	s14 =	simm.s32 @p2 $0x0;
	p2 =	sgt.s32 s16, $0xFFF  }
0x18: {  	s16 =	smov.u32 @p2 s2;
	p2 =	sne.s32 s11, s7  }
.Ltmp1:
0x19: {  	p1 =	slt.u32 s11, $0x2;
	(pc) =	sbr.rel @!p2 .LBB1_6-.Ltmp1, $4  }
0x1a: {  	s15 =	simm.s32 @!p1 $0x2  }
0x1b: {  	s13 =	smov.u32 s10;
	p0 =	por !p0, !p0;
	_ =	swait.ge @!p1 [sflag:s15], $0x2000  }
0x1c: {  	s12 =	smov.u32 s9;
	[sflag:s15] =	ssyncset.done @!p1 $0x0;
	s9 =	smov.u32 s14  }
0x1d: {  	s11 =	sadd.s32 $0x1, s11;
	[sflag:s15] =	ssyncadd.s32 @!p1 $0xFFFFE000;
	s10 =	smov.u32 s16  }
.LBB1_1:
0x1e: {  	p1 =	sge.u32 s11, s5  }
0x1f: {  	s14 =	sand.u32 @!p1 $0x1FFFFFF, s9  }
0x20: {  	s15 =	smulhi.u32 @!p1 $0x147AE15, s14;
	_ =	sdelay $0x1  }
0x21: {  	s15 =	smul.u32 @!p1 $0xC8, s15  }
0x22: {  	s16 =	sxor.u32 @!p1 $0xFFFFFFFF, s11;
	s17 =	smul.u32 @!p1 $0xC80, s10  }
0x23: {  	s31 =	sadd.s32 $0xFFFFFFFF, s11;
	s16 =	sshll.u32 @!p1 s16, $0xD;
	s14 =	ssub.s32 @!p1 s14, s15  }
0x24: {  	s15 =	sand.u32 @!p1 $0x2000, s16;
	s16 =	sadd.s32 @!p1 s6, s17;
	s14 =	sshll.u32 @!p1 s14, $0x4  }
0x25: {  	s17 =	simm.s32 @!p1 $0x6400;
	s14 =	sadd.s32 @!p1 s14, s16;
	s16 =	simm.s32 @!p1 $0x40  }
0x26: {  	[tilespmem:s15], [sflag:$0x1] =	stream.strided.gather @!p1 [hbm4b:s14+s16], $0x2000, s17, s16, $0x38;
	[tilespmem:$0x8080] =	vst v63  }
0x27: {  	p1 =	sge.u32 s31, s5  }
.Ltmp2:
0x28: {  	_ = 	snop;
	(pc) =	sbr.rel @p1 .LBB1_5-.Ltmp2, $1  }
0x29: {  	_ =	sdelay $0x3  }
0x2a: {  	s14 =	simm.s32 $0x1  }
0x2b: {  	_ =	swait.ge [sflag:s4], $0x2000;
	s14 =	simm.s32 @!p0 $0x0  }
0x2c: {  	[sflag:s4] =	ssyncset.done $0x0;
	s15 =	sshll.u32 s14, $0xD  }
0x2d: {  	[sflag:s4] =	ssyncadd.s32 $0xFFFFE000;
	s18 =	sor.u32 $0x20, s15  }
0x2e: {  	s14 =	smul.u32 $0x8100, s14;
	v3 =	vld [tilespmem:s18+$0x10]  }
0x2f: {  	s30 =	sand.u32 $0x1, s11;
	v2 =	vld [tilespmem:s18+$0xFFFFFFF0]  }
0x30: {  	s15 =	smul.u32 $0x8100, s30;
	s14 =	sshrl.u32 s14, $0x2;
	v0 =	vld [tilespmem:s18+$0x0]  }
0x31: {  	v1 =	vld [tilespmem:s18+$0xFFFFFFE0];
	s16 =	sor.u32 $0x4000, s14  }
0x32: {  	s31 =	sshrl.u32 s15, $0x2;
	s15 =	sadd.s32 $0x0, s16  }
0x33: {  	s17 =	simm.s32 $0x4;
	s18 =	sadd.s32 $0x40, s18;
	s14 =	sor.u32 $0x4000, s31;
	[tilespmem:s15+$0x1830 ss:$0x81] =	vst.msk $0xffff, v3  }
.LBB1_3:
0x34: {  	v3 =	vld [tilespmem:s18+$0x10];
	p1 =	sne.s32 s17, $0x1FC;
	[tilespmem:s15+$0x810 ss:$0x81] =	vst.msk $0xffff, v2;
	s19 =	smov.u32 s17;
	s17 =	sadd.s32 $0x4, s17  }
.Ltmp3:
0x35: {  	v2 =	vld [tilespmem:s18+$0xFFFFFFF0];
	[tilespmem:s15+$0x1020 ss:$0x81] =	vst.msk $0xffff, v0;
	(pc) =	sbr.rel @p1 .LBB1_3-.Ltmp3, $4  }
0x36: {  	v0 =	vld [tilespmem:s18+$0x0];
	[tilespmem:s15+$0x0 ss:$0x81] =	vst.msk $0xffff, v1  }
0x37: {  	s15 =	sshra.s32 s19, $0x2;
	v1 =	vld [tilespmem:s18+$0xFFFFFFE0]  }
0x38: {  	s15 =	sadd.s32 s15, s16  }
0x39: {  	s18 =	sadd.s32 $0x40, s18;
	[tilespmem:s15+$0x1830 ss:$0x81] =	vst.msk $0xffff, v3  }
.Ltmp4:
0x3a: {  	_ = 	snop;
	(pc) =	sbr.rel .LBB1_4-.Ltmp4, $1  }
0x3b: {  	_ =	sdelay $0x3  }
.LBB1_6:
0x3c: {  	_ =	sfence.sel $0x180000  }
0x3d: {  	s2 =	simm.s32 $0x1;
	[bflag:$0x0] =	sbarrier.arrive $0xFFFF  }
0x3e: {  	s31 =	simm.s32 $0x2;
	[sflag:s2] =	ssyncpa.u1 $0x1  }
0x3f: {  	[sflag:s31] =	ssyncpa.u1 $0x1  }
0x40: {  	p0 =	sne.s32 s0, $0x0;
	_ =	strace $0x9000004A  }
0x41: {  	s0 =	sadd.s32 @!p0 $0x100000, s1;
	[bflag:$0x2] =	sbarrier.arrive $0xFFFF  }
0x42: {  	[sflag:s0] =	ssyncadd.tile.s32 @!p0 $0x1;
	_ =	shalt  }
.Lfunc_end1:
_tile_overlayer_lowered:
.L_overlay_start_2:
0x43: {  	(tag) =	ssettag $0x2  }
0x44: {  	s0 =	rddreg [dreg:$0x0];
	s2 =	stileid.u32  }
0x45: {  	s1 =	rddreg [dreg:$0x1];
	p0 =	sne.s32 s2, $0x0  }
0x46: {  	s3 =	rddreg [dreg:$0x2];
	[bflag:$0x3] =	sbarrier.arrive $0xFFFF;
	s2 =	simm.s32 @!p0 $0x1C01  }
0x47: {  	[timem:s3], [sflag:s2] =	dma.local @!p0 [hbm:s0], s1  }
0x48: {  	s0 =	simm.s32 @!p0 $0x1  }
0x49: {  	_ =	swait.ge @!p0 [sflag:s0], s1  }
0x4a: {  	s1 =	ssub.s32 @!p0 $0x0, s1;
	[sflag:s0] =	ssyncset.done @!p0 $0x0  }
0x4b: {  	[sflag:s0] =	ssyncadd.s32 @!p0 s1  }
0x4c: {  	[bflag:$0x3] =	sbarrier.arrive $0xFFFF  }
0x4d: {  	_ =	shalt  }

</sc_bundles>
